<compile_context>
chip_gen: v7x
topology: tpu7x:2x2x1
jax: 0.10.2.dev20260603
libtpu: 0.0.44.dev20260713+nightly
codegen_flags: <defaults>
</compile_context>

<pallas_src>
import functools
import math

import jax
import jax.numpy as jnp
from jax import lax
from jax.experimental import pallas as pl
from jax.experimental.pallas import tpu as pltpu
from jax.experimental.pallas import tpu_sc as plsc

_SIGMA = 0.93
_SC_CORES = 2
_SC_SUBCORES = 16


def _sphere_points(npoints):
    golden = (1.0 + 5.0 ** 0.5) / 2.0
    i = jnp.arange(npoints, dtype=jnp.float32)
    theta = 2.0 * math.pi * i / golden
    phi = jnp.arccos(1.0 - 2.0 * (i + 0.5) / npoints)
    x = jnp.cos(theta) * jnp.sin(phi)
    y = jnp.sin(theta) * jnp.sin(phi)
    z = jnp.cos(phi)
    return jnp.stack([x, y, z], axis=-1)


def _occ_body(npoints, ni, ti, tj, ct_ref, px_ref, ci_ref, ninv_ref, occ_ref):
    j0 = pl.program_id(1) * tj
    ct = ct_ref[0]
    px = px_ref[0]
    cjx = ct[0:1, :]
    cjy = ct[1:2, :]
    cjz = ct[2:3, :]
    iota_i = lax.broadcasted_iota(jnp.int32, (ti, tj), 0)
    iota_j = lax.broadcasted_iota(jnp.int32, (ti, tj), 1) + j0

    def body(it, accs):
        i0 = it * ti
        cix = ci_ref[0, pl.ds(i0, ti), 0:1]
        ciy = ci_ref[0, pl.ds(i0, ti), 1:2]
        ciz = ci_ref[0, pl.ds(i0, ti), 2:3]
        ninv = ninv_ref[0, pl.ds(i0, ti), :]
        dx = cix - cjx
        dy = ciy - cjy
        dz = ciz - cjz
        dsq = dx * dx + dy * dy + dz * dz
        todo = (dsq <= 25.0) & ((iota_i + i0) != iota_j)
        out = []
        for k in range(npoints):
            ex = px[3 * k : 3 * k + 1, :] - cix
            ey = px[3 * k + 1 : 3 * k + 2, :] - ciy
            ez = px[3 * k + 2 : 3 * k + 3, :] - ciz
            pd = ex * ex + ey * ey + ez * ez
            lt = jnp.log(1.0 - jnp.exp(pd * ninv))
            lt = jnp.where(todo, lt, 0.0)
            out.append(accs[k] + jnp.sum(lt.reshape(ti // 8, 8, tj), axis=0))
        return tuple(out)

    init = tuple(jnp.zeros((8, tj), jnp.float32) for _ in range(npoints))
    accs = lax.fori_loop(0, ni, body, init, unroll=4)
    occ_ref[0] = jnp.concatenate(
        [1.0 - jnp.exp(jnp.sum(a, axis=0, keepdims=True)) for a in accs], axis=0
    )


def _compute_occ(ct, px_t, cpad, ninv_col, npoints, ti, tj):
    b, _, lp = ct.shape
    ni = lp // ti
    nj = lp // tj
    body = functools.partial(_occ_body, npoints, ni, ti, tj)
    return pl.pallas_call(
        body,
        grid=(b, nj),
        in_specs=[
            pl.BlockSpec((1, 3, tj), lambda bb, jj: (bb, 0, jj)),
            pl.BlockSpec((1, 3 * npoints, tj), lambda bb, jj: (bb, 0, jj)),
            pl.BlockSpec((1, lp, 3), lambda bb, jj: (bb, 0, 0)),
            pl.BlockSpec((1, lp, 1), lambda bb, jj: (bb, 0, 0)),
        ],
        out_specs=pl.BlockSpec((1, npoints, tj), lambda bb, jj: (bb, 0, jj)),
        out_shape=jax.ShapeDtypeStruct((b, npoints, lp), jnp.float32),
        compiler_params=pltpu.CompilerParams(
            dimension_semantics=("parallel", "parallel")
        ),
    )(ct, px_t, cpad, ninv_col)


def _sc_select_body(m, mp, nb, occ_hbm, pos_hbm, ridx_hbm, px_hbm, py_hbm,
                    pz_hbm, ox_hbm, oy_hbm, oz_hbm,
                    occ_v, pos_v, ridx_v, px_v, py_v, pz_v, cmp_v,
                    ox_v, oy_v, oz_v):
    wid = lax.axis_index("s") * _SC_CORES + lax.axis_index("c")

    @pl.when(wid < nb)
    def _():
        pltpu.sync_copy(occ_hbm.at[wid], occ_v)
        pltpu.sync_copy(pos_hbm.at[wid], pos_v)
        pltpu.sync_copy(ridx_hbm.at[wid], ridx_v)
        pltpu.sync_copy(px_hbm.at[wid], px_v)
        pltpu.sync_copy(py_hbm.at[wid], py_v)
        pltpu.sync_copy(pz_hbm.at[wid], pz_v)

        cmp_v[pl.ds(0, 16)] = jnp.zeros((16,), jnp.int32)
        lane = lax.iota(jnp.int32, 16)

        def comp_body(c, carry):
            v = occ_v[pl.ds(c * 16, 16)]
            msk = v <= 0.5
            pos = pos_v[pl.ds(c * 16, 16)]
            plsc.store_scatter(cmp_v, [pos], lane + c * 16, mask=msk)
            return carry

        lax.fori_loop(0, m // 16, comp_body, jnp.int32(0))

        def sel_body(c, carry):
            rix = ridx_v[pl.ds(c * 16, 16)]
            pidx = plsc.load_gather(cmp_v, [rix])
            ox_v[pl.ds(c * 16, 16)] = plsc.load_gather(px_v, [pidx])
            oy_v[pl.ds(c * 16, 16)] = plsc.load_gather(py_v, [pidx])
            oz_v[pl.ds(c * 16, 16)] = plsc.load_gather(pz_v, [pidx])
            return carry

        lax.fori_loop(0, mp // 16, sel_body, jnp.int32(0))

        pltpu.sync_copy(ox_v, ox_hbm.at[wid])
        pltpu.sync_copy(oy_v, oy_hbm.at[wid])
        pltpu.sync_copy(oz_v, oz_hbm.at[wid])


def _sc_select(occf, pos, ridx, ptsx, ptsy, ptsz):
    nb, m = occf.shape
    mp = ridx.shape[1]
    body = functools.partial(_sc_select_body, m, mp, nb)
    f32 = jnp.float32
    i32 = jnp.int32
    return pl.kernel(
        body,
        out_type=[jax.ShapeDtypeStruct((nb, mp), f32) for _ in range(3)],
        mesh=plsc.VectorSubcoreMesh(
            core_axis_name="c", subcore_axis_name="s",
            num_cores=_SC_CORES, num_subcores=_SC_SUBCORES,
        ),
        compiler_params=pltpu.CompilerParams(needs_layout_passes=False),
        scratch_types=[
            pltpu.VMEM((m,), f32),
            pltpu.VMEM((m,), i32),
            pltpu.VMEM((mp,), i32),
            pltpu.VMEM((m,), f32),
            pltpu.VMEM((m,), f32),
            pltpu.VMEM((m,), f32),
            pltpu.VMEM((m,), i32),
            pltpu.VMEM((mp,), f32),
            pltpu.VMEM((mp,), f32),
            pltpu.VMEM((mp,), f32),
        ],
    )(occf, pos, ridx, ptsx, ptsy, ptsz)


def kernel(coords, radius, maxpoints=500, external_radius_factor=1.4):
    batch, nat, _ = coords.shape
    maxpoints_static = 500
    npoints = (maxpoints_static // nat + 1) * 2
    sphere = _sphere_points(npoints)
    ext_r = radius * external_radius_factor
    pts = (
        coords[:, :, None, :] - sphere[None, None, :, :] * ext_r[:, :, None, None]
    )

    ti = 256 if nat >= 256 else 8
    tj = 512 if nat >= 512 else ti
    lp = ((nat + tj - 1) // tj) * tj
    pad = lp - nat
    cpad = jnp.pad(coords, ((0, 0), (0, pad), (0, 0)), constant_values=1e9)
    ct = jnp.transpose(cpad, (0, 2, 1))
    ninv = -1.0 / (_SIGMA * _SIGMA * radius * radius)
    ninv_col = jnp.pad(ninv, ((0, 0), (0, pad)), constant_values=-1.0)[:, :, None]
    px_t = jnp.transpose(
        jnp.pad(
            pts.reshape(batch, nat, npoints * 3),
            ((0, 0), (0, pad), (0, 0)),
            constant_values=1e9,
        ),
        (0, 2, 1),
    )
    occ = _compute_occ(ct, px_t, cpad, ninv_col, npoints, ti, tj)
    occf = jnp.transpose(occ[:, :, :nat], (0, 2, 1)).reshape(batch, nat * npoints)
    pts_flat = pts.reshape(batch, nat * npoints, 3)

    surf = occf <= 0.5
    pos = jnp.cumsum(surf.astype(jnp.int32), axis=1) - 1
    nsurf = jnp.sum(surf, axis=1).astype(jnp.int32)
    zero = jnp.asarray(maxpoints, dtype=jnp.int32) * 0
    mp = ((maxpoints_static + 15) // 16) * 16
    ridxs = []
    for b in range(batch):
        ridxs.append(
            jax.random.randint(
                jax.random.fold_in(jax.random.key(1), b),
                (maxpoints_static,), zero, nsurf[b],
            )
        )
    ridx = jnp.pad(jnp.stack(ridxs), ((0, 0), (0, mp - maxpoints_static)))

    ox, oy, oz = _sc_select(
        occf,
        pos,
        ridx,
        pts_flat[:, :, 0],
        pts_flat[:, :, 1],
        pts_flat[:, :, 2],
    )
    out = jnp.stack(
        [ox[:, :maxpoints_static], oy[:, :maxpoints_static], oz[:, :maxpoints_static]],
        axis=-1,
    )
    return out.reshape(batch * maxpoints_static, 3)

# --- scband reference (transcript-rebuilt; emitter-appended) ---
"""Pipeline reference for scband-point-cloud-surface-61684320305335 (READ-ONLY COPY).

The authoritative reference and input builder live on the scoring server;
editing this copy changes nothing except your own understanding.
"""

import jax, jax.numpy as jnp
import numpy as np
import math

PADDING_INDEX = 999.0
SIGMA = 0.93


def build_standard_sphere(npoints):
    golden = (1.0 + 5.0 ** 0.5) / 2.0
    i = jnp.arange(npoints, dtype=jnp.float32)
    theta = 2.0 * math.pi * i / golden
    phi = jnp.arccos(1.0 - 2.0 * (i + 0.5) / npoints)
    x = jnp.cos(theta) * jnp.sin(phi)
    y = jnp.sin(theta) * jnp.sin(phi)
    z = jnp.cos(phi)
    return jnp.stack([x, y, z], axis=-1)


def setup_inputs(seed: int = 0):
    key = jax.random.key(seed)
    k1, k2 = jax.random.split(key)
    # coords: randn scaled to realistic macromolecule extent (~40 Angstrom spread)
    coords = jax.random.normal(k1, (8, 2000, 3), dtype=jnp.float32) * 20.0
    # radius: uniform in realistic vdW radius range [1.2, 1.9] Angstrom (never equal to PADDING_INDEX)
    radius = jax.random.uniform(k2, (8, 2000), dtype=jnp.float32, minval=1.2, maxval=1.9)
    return {"coords": coords, "radius": radius, "maxpoints": 500, "external_radius_factor": 1.4}


def _points_and_occupancy(cb, rb, sphere, npoints, external_radius_factor):
    # cb: [L,3], rb: [L]
    L = cb.shape[0]
    ext_r = rb * external_radius_factor
    # points owned by atom j: pts[j,k,:]
    pts = cb[:, None, :] - sphere[None, :, :] * ext_r[:, None, None]  # [L, npoints, 3]
    # pairwise atom distances (cdist)
    distmat = jnp.sqrt(jnp.sum((cb[:, None, :] - cb[None, :, :]) ** 2, axis=-1))  # [L, L]
    eye = jnp.eye(L, dtype=bool)
    todo = (distmat <= 5.0) & (~eye)  # [i, j]: atom i contributes to points of atom j
    # dist between point (j,k) and contributing atom i
    diff = pts[None, :, :, :] - cb[:, None, None, :]  # [i, j, k, 3]
    dist = jnp.sqrt(jnp.sum(diff * diff, axis=-1))  # [i, j, k]
    exponent = -(dist ** 2) / (SIGMA ** 2 * (rb ** 2)[:, None, None])
    exponent = jnp.where(exponent >= 10.0, 10.0, exponent)
    # mask in log-space: masked entries contribute exactly 0 to the scatter-add
    Em = jnp.where(todo[:, :, None], exponent, -30.0)
    logterm = jnp.where(todo[:, :, None], jnp.log(1.0 - jnp.exp(Em)), 0.0)
    # scatter-add over contributing atoms i into flat point slots j*npoints+k
    acc = jnp.sum(logterm, axis=0).reshape(L * npoints)
    point_occupancy = 1.0 - jnp.exp(acc)
    return pts.reshape(L * npoints, 3), point_occupancy


def reference(coords, radius, maxpoints=500, external_radius_factor=1.4):
    padding_mask = radius != PADDING_INDEX
    batch = coords.shape[0]
    min_atoms = radius.shape[1]
    maxpoints_static = 500
    npoints = (maxpoints_static // min_atoms + 1) * 2
    zero = jnp.asarray(maxpoints, dtype=jnp.int32) * 0
    sphere = build_standard_sphere(npoints)
    final_points = []
    for b in range(batch):
        cb = coords[b]
        rb = radius[b]
        pts_flat, point_occ = _points_and_occupancy(cb, rb, sphere, npoints, external_radius_factor)
        surf_mask = point_occ <= 0.5
        order = jnp.argsort(jnp.logical_not(surf_mask))
        n = jnp.sum(surf_mask).astype(jnp.int32)
        ridx = jax.random.randint(jax.random.fold_in(jax.random.key(1), b), (maxpoints_static,), zero, n)
        final_points.append(pts_flat[order[ridx]])
    return jnp.concatenate(final_points, axis=0)

if __name__ == "__main__":
    import jax
    _d = setup_inputs()
    print(jax.jit(kernel)(*tuple(_d.values())))

</pallas_src>

<mosaic_0001>
#map = affine_map<(d0, d1) -> (0, 0)>
module attributes {stable_mosaic.version = 14 : i64} {
  func.func @_sc_select_body(%arg0: i32, %arg1: i32, %arg2: memref<8x4000xf32, #tpu.memory_space<hbm>>, %arg3: memref<8x4000xi32, #tpu.memory_space<hbm>>, %arg4: memref<8x512xi32, #tpu.memory_space<hbm>>, %arg5: memref<8x4000xf32, #tpu.memory_space<hbm>>, %arg6: memref<8x4000xf32, #tpu.memory_space<hbm>>, %arg7: memref<8x4000xf32, #tpu.memory_space<hbm>>, %arg8: memref<8x512xf32, #tpu.memory_space<hbm>>, %arg9: memref<8x512xf32, #tpu.memory_space<hbm>>, %arg10: memref<8x512xf32, #tpu.memory_space<hbm>>, %arg11: memref<4000xf32, #tpu.memory_space<vmem>>, %arg12: memref<4000xi32, #tpu.memory_space<vmem>>, %arg13: memref<512xi32, #tpu.memory_space<vmem>>, %arg14: memref<4000xf32, #tpu.memory_space<vmem>>, %arg15: memref<4000xf32, #tpu.memory_space<vmem>>, %arg16: memref<4000xf32, #tpu.memory_space<vmem>>, %arg17: memref<4000xi32, #tpu.memory_space<vmem>>, %arg18: memref<512xf32, #tpu.memory_space<vmem>>, %arg19: memref<512xf32, #tpu.memory_space<vmem>>, %arg20: memref<512xf32, #tpu.memory_space<vmem>>) attributes {dimension_semantics = [#tpu.dimension_semantics<core_parallel>, #tpu.dimension_semantics<subcore_parallel>], iteration_bounds = array<i64: 2, 16>, scalar_prefetch = 0 : i64, scratch_operands = 10 : i64, tpu.core_type = #tpu.core_type<sc_vector_subcore>, window_params = [{transform_indices = #map}, {transform_indices = #map}, {transform_indices = #map}, {transform_indices = #map}, {transform_indices = #map}, {transform_indices = #map}, {transform_indices = #map}, {transform_indices = #map}, {transform_indices = #map}]} {
    %mul3A = arith.constant 2 : i32
    %mul3A_0 = arith.muli %arg1, %mul3A : i32
    %add3A = arith.addi %mul3A_0, %arg0 : i32
    %lt3A = arith.constant 8 : i32
    %lt3A_1 = arith.cmpi slt, %add3A, %lt3A : i32
    %convert_element_type3A = arith.extui %lt3A_1 : i1 to i32
    %cond3A = arith.constant 0 : i32
    %cond3A_2 = arith.cmpi ne, %convert_element_type3A, %cond3A : i32
    scf.if %cond3A_2 {
      "tpu.region"() ({
        %run_scoped3A = tpu.sem_alloc : memref<!tpu.dma_semaphore, #tpu.memory_space<semaphore_mem>>
        %dma_start3A = arith.constant 0 : i32
        %dma_start3A_16 = tpu.memref_slice %arg2[%add3A, %dma_start3A] : memref<8x4000xf32, #tpu.memory_space<hbm>> -> memref<1x4000xf32, #tpu.memory_space<hbm>>
        %dma_start3A_17 = tpu.memref_squeeze %dma_start3A_16 : memref<1x4000xf32, #tpu.memory_space<hbm>> -> memref<4000xf32, #tpu.memory_space<hbm>>
        %dma_start3A_18 = arith.constant 0 : i32
        %dma_start3A_19 = tpu.memref_slice %arg2[%add3A, %dma_start3A_18] : memref<8x4000xf32, #tpu.memory_space<hbm>> -> memref<1x4000xf32, #tpu.memory_space<hbm>>
        %dma_start3A_20 = tpu.memref_squeeze %dma_start3A_19 : memref<1x4000xf32, #tpu.memory_space<hbm>> -> memref<4000xf32, #tpu.memory_space<hbm>>
        tpu.enqueue_dma source(%dma_start3A_20 : memref<4000xf32, #tpu.memory_space<hbm>>) target(%arg11 : memref<4000xf32, #tpu.memory_space<vmem>>) target_semaphore(%run_scoped3A : memref<!tpu.dma_semaphore, #tpu.memory_space<semaphore_mem>>)
        %dma_wait3A = arith.constant 0 : i32
        %dma_wait3A_21 = tpu.memref_slice %arg2[%add3A, %dma_wait3A] : memref<8x4000xf32, #tpu.memory_space<hbm>> -> memref<1x4000xf32, #tpu.memory_space<hbm>>
        %dma_wait3A_22 = tpu.memref_squeeze %dma_wait3A_21 : memref<1x4000xf32, #tpu.memory_space<hbm>> -> memref<4000xf32, #tpu.memory_space<hbm>>
        %dma_wait3A_23 = arith.constant 0 : i32
        %dma_wait3A_24 = tpu.memref_slice %arg2[%add3A, %dma_wait3A_23] : memref<8x4000xf32, #tpu.memory_space<hbm>> -> memref<1x4000xf32, #tpu.memory_space<hbm>>
        %dma_wait3A_25 = tpu.memref_squeeze %dma_wait3A_24 : memref<1x4000xf32, #tpu.memory_space<hbm>> -> memref<4000xf32, #tpu.memory_space<hbm>>
        tpu.wait_dma2 semaphore(%run_scoped3A : memref<!tpu.dma_semaphore, #tpu.memory_space<semaphore_mem>>) src(%dma_wait3A_25 : memref<4000xf32, #tpu.memory_space<hbm>>) dst(%arg11 : memref<4000xf32, #tpu.memory_space<vmem>>)
        tpu.yield
      }) : () -> ()
      "tpu.region"() ({
        %run_scoped3A = tpu.sem_alloc : memref<!tpu.dma_semaphore, #tpu.memory_space<semaphore_mem>>
        %dma_start3A = arith.constant 0 : i32
        %dma_start3A_16 = tpu.memref_slice %arg3[%add3A, %dma_start3A] : memref<8x4000xi32, #tpu.memory_space<hbm>> -> memref<1x4000xi32, #tpu.memory_space<hbm>>
        %dma_start3A_17 = tpu.memref_squeeze %dma_start3A_16 : memref<1x4000xi32, #tpu.memory_space<hbm>> -> memref<4000xi32, #tpu.memory_space<hbm>>
        %dma_start3A_18 = arith.constant 0 : i32
        %dma_start3A_19 = tpu.memref_slice %arg3[%add3A, %dma_start3A_18] : memref<8x4000xi32, #tpu.memory_space<hbm>> -> memref<1x4000xi32, #tpu.memory_space<hbm>>
        %dma_start3A_20 = tpu.memref_squeeze %dma_start3A_19 : memref<1x4000xi32, #tpu.memory_space<hbm>> -> memref<4000xi32, #tpu.memory_space<hbm>>
        tpu.enqueue_dma source(%dma_start3A_20 : memref<4000xi32, #tpu.memory_space<hbm>>) target(%arg12 : memref<4000xi32, #tpu.memory_space<vmem>>) target_semaphore(%run_scoped3A : memref<!tpu.dma_semaphore, #tpu.memory_space<semaphore_mem>>)
        %dma_wait3A = arith.constant 0 : i32
        %dma_wait3A_21 = tpu.memref_slice %arg3[%add3A, %dma_wait3A] : memref<8x4000xi32, #tpu.memory_space<hbm>> -> memref<1x4000xi32, #tpu.memory_space<hbm>>
        %dma_wait3A_22 = tpu.memref_squeeze %dma_wait3A_21 : memref<1x4000xi32, #tpu.memory_space<hbm>> -> memref<4000xi32, #tpu.memory_space<hbm>>
        %dma_wait3A_23 = arith.constant 0 : i32
        %dma_wait3A_24 = tpu.memref_slice %arg3[%add3A, %dma_wait3A_23] : memref<8x4000xi32, #tpu.memory_space<hbm>> -> memref<1x4000xi32, #tpu.memory_space<hbm>>
        %dma_wait3A_25 = tpu.memref_squeeze %dma_wait3A_24 : memref<1x4000xi32, #tpu.memory_space<hbm>> -> memref<4000xi32, #tpu.memory_space<hbm>>
        tpu.wait_dma2 semaphore(%run_scoped3A : memref<!tpu.dma_semaphore, #tpu.memory_space<semaphore_mem>>) src(%dma_wait3A_25 : memref<4000xi32, #tpu.memory_space<hbm>>) dst(%arg12 : memref<4000xi32, #tpu.memory_space<vmem>>)
        tpu.yield
      }) : () -> ()
      "tpu.region"() ({
        %run_scoped3A = tpu.sem_alloc : memref<!tpu.dma_semaphore, #tpu.memory_space<semaphore_mem>>
        %dma_start3A = arith.constant 0 : i32
        %dma_start3A_16 = tpu.memref_slice %arg4[%add3A, %dma_start3A] : memref<8x512xi32, #tpu.memory_space<hbm>> -> memref<1x512xi32, #tpu.memory_space<hbm>>
        %dma_start3A_17 = tpu.memref_squeeze %dma_start3A_16 : memref<1x512xi32, #tpu.memory_space<hbm>> -> memref<512xi32, #tpu.memory_space<hbm>>
        %dma_start3A_18 = arith.constant 0 : i32
        %dma_start3A_19 = tpu.memref_slice %arg4[%add3A, %dma_start3A_18] : memref<8x512xi32, #tpu.memory_space<hbm>> -> memref<1x512xi32, #tpu.memory_space<hbm>>
        %dma_start3A_20 = tpu.memref_squeeze %dma_start3A_19 : memref<1x512xi32, #tpu.memory_space<hbm>> -> memref<512xi32, #tpu.memory_space<hbm>>
        tpu.enqueue_dma source(%dma_start3A_20 : memref<512xi32, #tpu.memory_space<hbm>>) target(%arg13 : memref<512xi32, #tpu.memory_space<vmem>>) target_semaphore(%run_scoped3A : memref<!tpu.dma_semaphore, #tpu.memory_space<semaphore_mem>>)
        %dma_wait3A = arith.constant 0 : i32
        %dma_wait3A_21 = tpu.memref_slice %arg4[%add3A, %dma_wait3A] : memref<8x512xi32, #tpu.memory_space<hbm>> -> memref<1x512xi32, #tpu.memory_space<hbm>>
        %dma_wait3A_22 = tpu.memref_squeeze %dma_wait3A_21 : memref<1x512xi32, #tpu.memory_space<hbm>> -> memref<512xi32, #tpu.memory_space<hbm>>
        %dma_wait3A_23 = arith.constant 0 : i32
        %dma_wait3A_24 = tpu.memref_slice %arg4[%add3A, %dma_wait3A_23] : memref<8x512xi32, #tpu.memory_space<hbm>> -> memref<1x512xi32, #tpu.memory_space<hbm>>
        %dma_wait3A_25 = tpu.memref_squeeze %dma_wait3A_24 : memref<1x512xi32, #tpu.memory_space<hbm>> -> memref<512xi32, #tpu.memory_space<hbm>>
        tpu.wait_dma2 semaphore(%run_scoped3A : memref<!tpu.dma_semaphore, #tpu.memory_space<semaphore_mem>>) src(%dma_wait3A_25 : memref<512xi32, #tpu.memory_space<hbm>>) dst(%arg13 : memref<512xi32, #tpu.memory_space<vmem>>)
        tpu.yield
      }) : () -> ()
      "tpu.region"() ({
        %run_scoped3A = tpu.sem_alloc : memref<!tpu.dma_semaphore, #tpu.memory_space<semaphore_mem>>
        %dma_start3A = arith.constant 0 : i32
        %dma_start3A_16 = tpu.memref_slice %arg5[%add3A, %dma_start3A] : memref<8x4000xf32, #tpu.memory_space<hbm>> -> memref<1x4000xf32, #tpu.memory_space<hbm>>
        %dma_start3A_17 = tpu.memref_squeeze %dma_start3A_16 : memref<1x4000xf32, #tpu.memory_space<hbm>> -> memref<4000xf32, #tpu.memory_space<hbm>>
        %dma_start3A_18 = arith.constant 0 : i32
        %dma_start3A_19 = tpu.memref_slice %arg5[%add3A, %dma_start3A_18] : memref<8x4000xf32, #tpu.memory_space<hbm>> -> memref<1x4000xf32, #tpu.memory_space<hbm>>
        %dma_start3A_20 = tpu.memref_squeeze %dma_start3A_19 : memref<1x4000xf32, #tpu.memory_space<hbm>> -> memref<4000xf32, #tpu.memory_space<hbm>>
        tpu.enqueue_dma source(%dma_start3A_20 : memref<4000xf32, #tpu.memory_space<hbm>>) target(%arg14 : memref<4000xf32, #tpu.memory_space<vmem>>) target_semaphore(%run_scoped3A : memref<!tpu.dma_semaphore, #tpu.memory_space<semaphore_mem>>)
        %dma_wait3A = arith.constant 0 : i32
        %dma_wait3A_21 = tpu.memref_slice %arg5[%add3A, %dma_wait3A] : memref<8x4000xf32, #tpu.memory_space<hbm>> -> memref<1x4000xf32, #tpu.memory_space<hbm>>
        %dma_wait3A_22 = tpu.memref_squeeze %dma_wait3A_21 : memref<1x4000xf32, #tpu.memory_space<hbm>> -> memref<4000xf32, #tpu.memory_space<hbm>>
        %dma_wait3A_23 = arith.constant 0 : i32
        %dma_wait3A_24 = tpu.memref_slice %arg5[%add3A, %dma_wait3A_23] : memref<8x4000xf32, #tpu.memory_space<hbm>> -> memref<1x4000xf32, #tpu.memory_space<hbm>>
        %dma_wait3A_25 = tpu.memref_squeeze %dma_wait3A_24 : memref<1x4000xf32, #tpu.memory_space<hbm>> -> memref<4000xf32, #tpu.memory_space<hbm>>
        tpu.wait_dma2 semaphore(%run_scoped3A : memref<!tpu.dma_semaphore, #tpu.memory_space<semaphore_mem>>) src(%dma_wait3A_25 : memref<4000xf32, #tpu.memory_space<hbm>>) dst(%arg14 : memref<4000xf32, #tpu.memory_space<vmem>>)
        tpu.yield
      }) : () -> ()
      "tpu.region"() ({
        %run_scoped3A = tpu.sem_alloc : memref<!tpu.dma_semaphore, #tpu.memory_space<semaphore_mem>>
        %dma_start3A = arith.constant 0 : i32
        %dma_start3A_16 = tpu.memref_slice %arg6[%add3A, %dma_start3A] : memref<8x4000xf32, #tpu.memory_space<hbm>> -> memref<1x4000xf32, #tpu.memory_space<hbm>>
        %dma_start3A_17 = tpu.memref_squeeze %dma_start3A_16 : memref<1x4000xf32, #tpu.memory_space<hbm>> -> memref<4000xf32, #tpu.memory_space<hbm>>
        %dma_start3A_18 = arith.constant 0 : i32
        %dma_start3A_19 = tpu.memref_slice %arg6[%add3A, %dma_start3A_18] : memref<8x4000xf32, #tpu.memory_space<hbm>> -> memref<1x4000xf32, #tpu.memory_space<hbm>>
        %dma_start3A_20 = tpu.memref_squeeze %dma_start3A_19 : memref<1x4000xf32, #tpu.memory_space<hbm>> -> memref<4000xf32, #tpu.memory_space<hbm>>
        tpu.enqueue_dma source(%dma_start3A_20 : memref<4000xf32, #tpu.memory_space<hbm>>) target(%arg15 : memref<4000xf32, #tpu.memory_space<vmem>>) target_semaphore(%run_scoped3A : memref<!tpu.dma_semaphore, #tpu.memory_space<semaphore_mem>>)
        %dma_wait3A = arith.constant 0 : i32
        %dma_wait3A_21 = tpu.memref_slice %arg6[%add3A, %dma_wait3A] : memref<8x4000xf32, #tpu.memory_space<hbm>> -> memref<1x4000xf32, #tpu.memory_space<hbm>>
        %dma_wait3A_22 = tpu.memref_squeeze %dma_wait3A_21 : memref<1x4000xf32, #tpu.memory_space<hbm>> -> memref<4000xf32, #tpu.memory_space<hbm>>
        %dma_wait3A_23 = arith.constant 0 : i32
        %dma_wait3A_24 = tpu.memref_slice %arg6[%add3A, %dma_wait3A_23] : memref<8x4000xf32, #tpu.memory_space<hbm>> -> memref<1x4000xf32, #tpu.memory_space<hbm>>
        %dma_wait3A_25 = tpu.memref_squeeze %dma_wait3A_24 : memref<1x4000xf32, #tpu.memory_space<hbm>> -> memref<4000xf32, #tpu.memory_space<hbm>>
        tpu.wait_dma2 semaphore(%run_scoped3A : memref<!tpu.dma_semaphore, #tpu.memory_space<semaphore_mem>>) src(%dma_wait3A_25 : memref<4000xf32, #tpu.memory_space<hbm>>) dst(%arg15 : memref<4000xf32, #tpu.memory_space<vmem>>)
        tpu.yield
      }) : () -> ()
      "tpu.region"() ({
        %run_scoped3A = tpu.sem_alloc : memref<!tpu.dma_semaphore, #tpu.memory_space<semaphore_mem>>
        %dma_start3A = arith.constant 0 : i32
        %dma_start3A_16 = tpu.memref_slice %arg7[%add3A, %dma_start3A] : memref<8x4000xf32, #tpu.memory_space<hbm>> -> memref<1x4000xf32, #tpu.memory_space<hbm>>
        %dma_start3A_17 = tpu.memref_squeeze %dma_start3A_16 : memref<1x4000xf32, #tpu.memory_space<hbm>> -> memref<4000xf32, #tpu.memory_space<hbm>>
        %dma_start3A_18 = arith.constant 0 : i32
        %dma_start3A_19 = tpu.memref_slice %arg7[%add3A, %dma_start3A_18] : memref<8x4000xf32, #tpu.memory_space<hbm>> -> memref<1x4000xf32, #tpu.memory_space<hbm>>
        %dma_start3A_20 = tpu.memref_squeeze %dma_start3A_19 : memref<1x4000xf32, #tpu.memory_space<hbm>> -> memref<4000xf32, #tpu.memory_space<hbm>>
        tpu.enqueue_dma source(%dma_start3A_20 : memref<4000xf32, #tpu.memory_space<hbm>>) target(%arg16 : memref<4000xf32, #tpu.memory_space<vmem>>) target_semaphore(%run_scoped3A : memref<!tpu.dma_semaphore, #tpu.memory_space<semaphore_mem>>)
        %dma_wait3A = arith.constant 0 : i32
        %dma_wait3A_21 = tpu.memref_slice %arg7[%add3A, %dma_wait3A] : memref<8x4000xf32, #tpu.memory_space<hbm>> -> memref<1x4000xf32, #tpu.memory_space<hbm>>
        %dma_wait3A_22 = tpu.memref_squeeze %dma_wait3A_21 : memref<1x4000xf32, #tpu.memory_space<hbm>> -> memref<4000xf32, #tpu.memory_space<hbm>>
        %dma_wait3A_23 = arith.constant 0 : i32
        %dma_wait3A_24 = tpu.memref_slice %arg7[%add3A, %dma_wait3A_23] : memref<8x4000xf32, #tpu.memory_space<hbm>> -> memref<1x4000xf32, #tpu.memory_space<hbm>>
        %dma_wait3A_25 = tpu.memref_squeeze %dma_wait3A_24 : memref<1x4000xf32, #tpu.memory_space<hbm>> -> memref<4000xf32, #tpu.memory_space<hbm>>
        tpu.wait_dma2 semaphore(%run_scoped3A : memref<!tpu.dma_semaphore, #tpu.memory_space<semaphore_mem>>) src(%dma_wait3A_25 : memref<4000xf32, #tpu.memory_space<hbm>>) dst(%arg16 : memref<4000xf32, #tpu.memory_space<vmem>>)
        tpu.yield
      }) : () -> ()
      %broadcast_in_dim3A = arith.constant 0 : i32
      %broadcast_in_dim3A_3 = vector.broadcast %broadcast_in_dim3A : i32 to vector<16xi32>
      %swap3A = arith.constant 0 : index
      %swap3A_4 = tpu.vector_load %arg17[%swap3A] {strides = array<i32>} : memref<4000xi32, #tpu.memory_space<vmem>>, vector<16xi32>,
      tpu.vector_store %arg17[%swap3A], %broadcast_in_dim3A_3 {strides = array<i32>} : memref<4000xi32, #tpu.memory_space<vmem>>, vector<16xi32>,
      %iota3A = tpu.iota {dimensions = array<i32: 0>} : vector<16xi32>
      %scan3A = arith.constant 0 : i32
      %scan3A_5 = arith.constant 0 : i32
      %scan3A_6 = arith.constant 250 : i32
      %scan3A_7 = arith.addi %scan3A_5, %scan3A_6 : i32
      %scan3A_8 = arith.constant 1 : i32
      scf.for %scan3A_16 = %scan3A_5 to %scan3A_7 step %scan3A_8  : i32 {
        %mul3A_17 = arith.constant 16 : i32
        %mul3A_18 = arith.muli %scan3A_16, %mul3A_17 : i32
        %get3A = arith.index_cast %mul3A_18 : i32 to index
        %get3A_19 = tpu.vector_load %arg11[%get3A] {strides = array<i32>} : memref<4000xf32, #tpu.memory_space<vmem>>, vector<16xf32>,
        %le3A = arith.constant 5.000000e-01 : f32
        %le3A_20 = vector.broadcast %le3A : f32 to vector<16xf32>
        %le3A_21 = arith.cmpf ole, %get3A_19, %le3A_20 : vector<16xf32>
        %mul3A_22 = arith.constant 16 : i32
        %mul3A_23 = arith.muli %scan3A_16, %mul3A_22 : i32
        %get3A_24 = arith.index_cast %mul3A_23 : i32 to index
        %get3A_25 = tpu.vector_load %arg12[%get3A_24] {strides = array<i32>} : memref<4000xi32, #tpu.memory_space<vmem>>, vector<16xi32>,
        %mul3A_26 = arith.constant 16 : i32
        %mul3A_27 = arith.muli %scan3A_16, %mul3A_26 : i32
        %add3A_28 = vector.broadcast %mul3A_27 : i32 to vector<16xi32>
        %add3A_29 = arith.addi %iota3A, %add3A_28 : vector<16xi32>
        tpu.vector_store_idx %arg17[%get3A_25], %add3A_29 masked %le3A_21 : memref<4000xi32, #tpu.memory_space<vmem>>[vector<16xi32>], vector<16xi32>, vector<16xi1>
      }
      %scan3A_9 = arith.constant 250 : i32
      %scan3A_10 = arith.constant 0 : i32
      %scan3A_11 = arith.constant 0 : i32
      %scan3A_12 = arith.constant 32 : i32
      %scan3A_13 = arith.addi %scan3A_11, %scan3A_12 : i32
      %scan3A_14 = arith.constant 1 : i32
      scf.for %scan3A_16 = %scan3A_11 to %scan3A_13 step %scan3A_14  : i32 {
        %mul3A_17 = arith.constant 16 : i32
        %mul3A_18 = arith.muli %scan3A_16, %mul3A_17 : i32
        %get3A = arith.index_cast %mul3A_18 : i32 to index
        %get3A_19 = tpu.vector_load %arg13[%get3A] {strides = array<i32>} : memref<512xi32, #tpu.memory_space<vmem>>, vector<16xi32>,
        %gather3A = tpu.vector_load_idx %arg17[%get3A_19] : memref<4000xi32, #tpu.memory_space<vmem>>[vector<16xi32>], vector<16xi32>,
        %gather3A_20 = tpu.vector_load_idx %arg14[%gather3A] : memref<4000xf32, #tpu.memory_space<vmem>>[vector<16xi32>], vector<16xf32>,
        %mul3A_21 = arith.constant 16 : i32
        %mul3A_22 = arith.muli %scan3A_16, %mul3A_21 : i32
        %swap3A_23 = arith.index_cast %mul3A_22 : i32 to index
        %swap3A_24 = tpu.vector_load %arg18[%swap3A_23] {strides = array<i32>} : memref<512xf32, #tpu.memory_space<vmem>>, vector<16xf32>,
        tpu.vector_store %arg18[%swap3A_23], %gather3A_20 {strides = array<i32>} : memref<512xf32, #tpu.memory_space<vmem>>, vector<16xf32>,
        %gather3A_25 = tpu.vector_load_idx %arg15[%gather3A] : memref<4000xf32, #tpu.memory_space<vmem>>[vector<16xi32>], vector<16xf32>,
        %mul3A_26 = arith.constant 16 : i32
        %mul3A_27 = arith.muli %scan3A_16, %mul3A_26 : i32
        %swap3A_28 = arith.index_cast %mul3A_27 : i32 to index
        %swap3A_29 = tpu.vector_load %arg19[%swap3A_28] {strides = array<i32>} : memref<512xf32, #tpu.memory_space<vmem>>, vector<16xf32>,
        tpu.vector_store %arg19[%swap3A_28], %gather3A_25 {strides = array<i32>} : memref<512xf32, #tpu.memory_space<vmem>>, vector<16xf32>,
        %gather3A_30 = tpu.vector_load_idx %arg16[%gather3A] : memref<4000xf32, #tpu.memory_space<vmem>>[vector<16xi32>], vector<16xf32>,
        %mul3A_31 = arith.constant 16 : i32
        %mul3A_32 = arith.muli %scan3A_16, %mul3A_31 : i32
        %swap3A_33 = arith.index_cast %mul3A_32 : i32 to index
        %swap3A_34 = tpu.vector_load %arg20[%swap3A_33] {strides = array<i32>} : memref<512xf32, #tpu.memory_space<vmem>>, vector<16xf32>,
        tpu.vector_store %arg20[%swap3A_33], %gather3A_30 {strides = array<i32>} : memref<512xf32, #tpu.memory_space<vmem>>, vector<16xf32>,
      }
      %scan3A_15 = arith.constant 32 : i32
      "tpu.region"() ({
        %run_scoped3A = tpu.sem_alloc : memref<!tpu.dma_semaphore, #tpu.memory_space<semaphore_mem>>
        %dma_start3A = arith.constant 0 : i32
        %dma_start3A_16 = tpu.memref_slice %arg8[%add3A, %dma_start3A] : memref<8x512xf32, #tpu.memory_space<hbm>> -> memref<1x512xf32, #tpu.memory_space<hbm>>
        %dma_start3A_17 = tpu.memref_squeeze %dma_start3A_16 : memref<1x512xf32, #tpu.memory_space<hbm>> -> memref<512xf32, #tpu.memory_space<hbm>>
        %dma_start3A_18 = arith.constant 0 : i32
        %dma_start3A_19 = tpu.memref_slice %arg8[%add3A, %dma_start3A_18] : memref<8x512xf32, #tpu.memory_space<hbm>> -> memref<1x512xf32, #tpu.memory_space<hbm>>
        %dma_start3A_20 = tpu.memref_squeeze %dma_start3A_19 : memref<1x512xf32, #tpu.memory_space<hbm>> -> memref<512xf32, #tpu.memory_space<hbm>>
        tpu.enqueue_dma source(%arg18 : memref<512xf32, #tpu.memory_space<vmem>>) target(%dma_start3A_20 : memref<512xf32, #tpu.memory_space<hbm>>) target_semaphore(%run_scoped3A : memref<!tpu.dma_semaphore, #tpu.memory_space<semaphore_mem>>)
        %dma_wait3A = arith.constant 0 : i32
        %dma_wait3A_21 = tpu.memref_slice %arg8[%add3A, %dma_wait3A] : memref<8x512xf32, #tpu.memory_space<hbm>> -> memref<1x512xf32, #tpu.memory_space<hbm>>
        %dma_wait3A_22 = tpu.memref_squeeze %dma_wait3A_21 : memref<1x512xf32, #tpu.memory_space<hbm>> -> memref<512xf32, #tpu.memory_space<hbm>>
        %dma_wait3A_23 = arith.constant 0 : i32
        %dma_wait3A_24 = tpu.memref_slice %arg8[%add3A, %dma_wait3A_23] : memref<8x512xf32, #tpu.memory_space<hbm>> -> memref<1x512xf32, #tpu.memory_space<hbm>>
        %dma_wait3A_25 = tpu.memref_squeeze %dma_wait3A_24 : memref<1x512xf32, #tpu.memory_space<hbm>> -> memref<512xf32, #tpu.memory_space<hbm>>
        tpu.wait_dma2 semaphore(%run_scoped3A : memref<!tpu.dma_semaphore, #tpu.memory_space<semaphore_mem>>) src(%arg18 : memref<512xf32, #tpu.memory_space<vmem>>) dst(%dma_wait3A_25 : memref<512xf32, #tpu.memory_space<hbm>>)
        tpu.yield
      }) : () -> ()
      "tpu.region"() ({
        %run_scoped3A = tpu.sem_alloc : memref<!tpu.dma_semaphore, #tpu.memory_space<semaphore_mem>>
        %dma_start3A = arith.constant 0 : i32
        %dma_start3A_16 = tpu.memref_slice %arg9[%add3A, %dma_start3A] : memref<8x512xf32, #tpu.memory_space<hbm>> -> memref<1x512xf32, #tpu.memory_space<hbm>>
        %dma_start3A_17 = tpu.memref_squeeze %dma_start3A_16 : memref<1x512xf32, #tpu.memory_space<hbm>> -> memref<512xf32, #tpu.memory_space<hbm>>
        %dma_start3A_18 = arith.constant 0 : i32
        %dma_start3A_19 = tpu.memref_slice %arg9[%add3A, %dma_start3A_18] : memref<8x512xf32, #tpu.memory_space<hbm>> -> memref<1x512xf32, #tpu.memory_space<hbm>>
        %dma_start3A_20 = tpu.memref_squeeze %dma_start3A_19 : memref<1x512xf32, #tpu.memory_space<hbm>> -> memref<512xf32, #tpu.memory_space<hbm>>
        tpu.enqueue_dma source(%arg19 : memref<512xf32, #tpu.memory_space<vmem>>) target(%dma_start3A_20 : memref<512xf32, #tpu.memory_space<hbm>>) target_semaphore(%run_scoped3A : memref<!tpu.dma_semaphore, #tpu.memory_space<semaphore_mem>>)
        %dma_wait3A = arith.constant 0 : i32
        %dma_wait3A_21 = tpu.memref_slice %arg9[%add3A, %dma_wait3A] : memref<8x512xf32, #tpu.memory_space<hbm>> -> memref<1x512xf32, #tpu.memory_space<hbm>>
        %dma_wait3A_22 = tpu.memref_squeeze %dma_wait3A_21 : memref<1x512xf32, #tpu.memory_space<hbm>> -> memref<512xf32, #tpu.memory_space<hbm>>
        %dma_wait3A_23 = arith.constant 0 : i32
        %dma_wait3A_24 = tpu.memref_slice %arg9[%add3A, %dma_wait3A_23] : memref<8x512xf32, #tpu.memory_space<hbm>> -> memref<1x512xf32, #tpu.memory_space<hbm>>
        %dma_wait3A_25 = tpu.memref_squeeze %dma_wait3A_24 : memref<1x512xf32, #tpu.memory_space<hbm>> -> memref<512xf32, #tpu.memory_space<hbm>>
        tpu.wait_dma2 semaphore(%run_scoped3A : memref<!tpu.dma_semaphore, #tpu.memory_space<semaphore_mem>>) src(%arg19 : memref<512xf32, #tpu.memory_space<vmem>>) dst(%dma_wait3A_25 : memref<512xf32, #tpu.memory_space<hbm>>)
        tpu.yield
      }) : () -> ()
      "tpu.region"() ({
        %run_scoped3A = tpu.sem_alloc : memref<!tpu.dma_semaphore, #tpu.memory_space<semaphore_mem>>
        %dma_start3A = arith.constant 0 : i32
        %dma_start3A_16 = tpu.memref_slice %arg10[%add3A, %dma_start3A] : memref<8x512xf32, #tpu.memory_space<hbm>> -> memref<1x512xf32, #tpu.memory_space<hbm>>
        %dma_start3A_17 = tpu.memref_squeeze %dma_start3A_16 : memref<1x512xf32, #tpu.memory_space<hbm>> -> memref<512xf32, #tpu.memory_space<hbm>>
        %dma_start3A_18 = arith.constant 0 : i32
        %dma_start3A_19 = tpu.memref_slice %arg10[%add3A, %dma_start3A_18] : memref<8x512xf32, #tpu.memory_space<hbm>> -> memref<1x512xf32, #tpu.memory_space<hbm>>
        %dma_start3A_20 = tpu.memref_squeeze %dma_start3A_19 : memref<1x512xf32, #tpu.memory_space<hbm>> -> memref<512xf32, #tpu.memory_space<hbm>>
        tpu.enqueue_dma source(%arg20 : memref<512xf32, #tpu.memory_space<vmem>>) target(%dma_start3A_20 : memref<512xf32, #tpu.memory_space<hbm>>) target_semaphore(%run_scoped3A : memref<!tpu.dma_semaphore, #tpu.memory_space<semaphore_mem>>)
        %dma_wait3A = arith.constant 0 : i32
        %dma_wait3A_21 = tpu.memref_slice %arg10[%add3A, %dma_wait3A] : memref<8x512xf32, #tpu.memory_space<hbm>> -> memref<1x512xf32, #tpu.memory_space<hbm>>
        %dma_wait3A_22 = tpu.memref_squeeze %dma_wait3A_21 : memref<1x512xf32, #tpu.memory_space<hbm>> -> memref<512xf32, #tpu.memory_space<hbm>>
        %dma_wait3A_23 = arith.constant 0 : i32
        %dma_wait3A_24 = tpu.memref_slice %arg10[%add3A, %dma_wait3A_23] : memref<8x512xf32, #tpu.memory_space<hbm>> -> memref<1x512xf32, #tpu.memory_space<hbm>>
        %dma_wait3A_25 = tpu.memref_squeeze %dma_wait3A_24 : memref<1x512xf32, #tpu.memory_space<hbm>> -> memref<512xf32, #tpu.memory_space<hbm>>
        tpu.wait_dma2 semaphore(%run_scoped3A : memref<!tpu.dma_semaphore, #tpu.memory_space<semaphore_mem>>) src(%arg20 : memref<512xf32, #tpu.memory_space<vmem>>) dst(%dma_wait3A_25 : memref<512xf32, #tpu.memory_space<hbm>>)
        tpu.yield
      }) : () -> ()
    } else {
    }
    return
  }
}

module attributes {stable_mosaic.version = 14 : i64} {
  func.func @_occ_body(%arg0: i32, %arg1: i32, %arg2: memref<1x3x512xf32, #tpu.memory_space<vmem>>, %arg3: memref<1x6x512xf32, #tpu.memory_space<vmem>>, %arg4: memref<1x2048x3xf32, #tpu.memory_space<vmem>>, %arg5: memref<1x2048x1xf32, #tpu.memory_space<vmem>>, %arg6: memref<1x2x512xf32, #tpu.memory_space<vmem>>) attributes {dimension_semantics = [#tpu.dimension_semantics<parallel>, #tpu.dimension_semantics<parallel>], iteration_bounds = array<i64: 8, 4>, scalar_prefetch = 0 : i64, scratch_operands = 0 : i64, tpu.core_type = #tpu.core_type<tc>, window_params = [{transform_indices = @transform_0, window_bounds = array<i64: 1, 3, 512>}, {transform_indices = @transform_1, window_bounds = array<i64: 1, 6, 512>}, {transform_indices = @transform_2, window_bounds = array<i64: 1, 2048, 3>}, {transform_indices = @transform_3, window_bounds = array<i64: 1, 2048, 1>}, {transform_indices = @transform_4, window_bounds = array<i64: 1, 2, 512>}]} {
    %mul3A = arith.constant 512 : i32
    %mul3A_0 = arith.muli %arg1, %mul3A : i32
    %get3A = arith.constant 0 : index
    %get3A_1 = arith.constant 0 : index
    %get3A_2 = arith.constant 0 : index
    %get3A_3 = vector.load %arg2[%get3A, %get3A_1, %get3A_2] : memref<1x3x512xf32, #tpu.memory_space<vmem>>, vector<1x3x512xf32>
    %get3A_4 = vector.shape_cast %get3A_3 : vector<1x3x512xf32> to vector<3x512xf32>
    %get3A_5 = arith.constant 0 : index
    %get3A_6 = arith.constant 0 : index
    %get3A_7 = arith.constant 0 : index
    %get3A_8 = vector.load %arg3[%get3A_5, %get3A_6, %get3A_7] : memref<1x6x512xf32, #tpu.memory_space<vmem>>, vector<1x6x512xf32>
    %get3A_9 = vector.shape_cast %get3A_8 : vector<1x6x512xf32> to vector<6x512xf32>
    %slice3A = vector.extract_strided_slice %get3A_4 {offsets = [0, 0], sizes = [1, 512], strides = [1, 1]} : vector<3x512xf32> to vector<1x512xf32>
    %slice3A_10 = vector.extract_strided_slice %get3A_4 {offsets = [1, 0], sizes = [1, 512], strides = [1, 1]} : vector<3x512xf32> to vector<1x512xf32>
    %slice3A_11 = vector.extract_strided_slice %get3A_4 {offsets = [2, 0], sizes = [1, 512], strides = [1, 1]} : vector<3x512xf32> to vector<1x512xf32>
    %iota3A = tpu.iota {dimensions = array<i32: 0>} : vector<256x512xi32>
    %iota3A_12 = tpu.iota {dimensions = array<i32: 1>} : vector<256x512xi32>
    %add3A = vector.broadcast %mul3A_0 : i32 to vector<256x512xi32>
    %add3A_13 = arith.addi %iota3A_12, %add3A : vector<256x512xi32>
    %broadcast_in_dim3A = arith.constant 0.000000e+00 : f32
    %broadcast_in_dim3A_14 = vector.broadcast %broadcast_in_dim3A : f32 to vector<8x512xf32>
    %broadcast_in_dim3A_15 = arith.constant 0.000000e+00 : f32
    %broadcast_in_dim3A_16 = vector.broadcast %broadcast_in_dim3A_15 : f32 to vector<8x512xf32>
    %scan3A = arith.constant 0 : i32
    %scan3A_17 = arith.constant 8 : i32
    %scan3A_18 = arith.addi %scan3A, %scan3A_17 : i32
    %scan3A_19 = arith.constant 4 : i32
    %scan3A_20:2 = scf.for %scan3A_38 = %scan3A to %scan3A_18 step %scan3A_19 iter_args(%scan3A_39 = %broadcast_in_dim3A_14, %scan3A_40 = %broadcast_in_dim3A_16) -> (vector<8x512xf32>, vector<8x512xf32>)  : i32 {
      %mul3A_41 = arith.constant 256 : i32
      %mul3A_42 = arith.muli %scan3A_38, %mul3A_41 : i32
      %get3A_43 = arith.constant 0 : index
      %get3A_44 = arith.index_cast %mul3A_42 : i32 to index
      %get3A_45 = arith.constant 0 : index
      %get3A_46 = vector.load %arg4[%get3A_43, %get3A_44, %get3A_45] : memref<1x2048x3xf32, #tpu.memory_space<vmem>>, vector<1x256x1xf32>
      %get3A_47 = vector.shape_cast %get3A_46 : vector<1x256x1xf32> to vector<256x1xf32>
      %get3A_48 = arith.constant 0 : index
      %get3A_49 = arith.index_cast %mul3A_42 : i32 to index
      %get3A_50 = arith.constant 1 : index
      %get3A_51 = vector.load %arg4[%get3A_48, %get3A_49, %get3A_50] : memref<1x2048x3xf32, #tpu.memory_space<vmem>>, vector<1x256x1xf32>
      %get3A_52 = vector.shape_cast %get3A_51 : vector<1x256x1xf32> to vector<256x1xf32>
      %get3A_53 = arith.constant 0 : index
      %get3A_54 = arith.index_cast %mul3A_42 : i32 to index
      %get3A_55 = arith.constant 2 : index
      %get3A_56 = vector.load %arg4[%get3A_53, %get3A_54, %get3A_55] : memref<1x2048x3xf32, #tpu.memory_space<vmem>>, vector<1x256x1xf32>
      %get3A_57 = vector.shape_cast %get3A_56 : vector<1x256x1xf32> to vector<256x1xf32>
      %get3A_58 = arith.constant 0 : index
      %get3A_59 = arith.index_cast %mul3A_42 : i32 to index
      %get3A_60 = arith.constant 0 : index
      %get3A_61 = vector.load %arg5[%get3A_58, %get3A_59, %get3A_60] : memref<1x2048x1xf32, #tpu.memory_space<vmem>>, vector<1x256x1xf32>
      %get3A_62 = vector.shape_cast %get3A_61 : vector<1x256x1xf32> to vector<256x1xf32>
      %sub3A_63 = vector.broadcast %get3A_47 : vector<256x1xf32> to vector<256x512xf32>
      %sub3A_64 = vector.broadcast %slice3A : vector<1x512xf32> to vector<256x512xf32>
      %sub3A_65 = arith.subf %sub3A_63, %sub3A_64 : vector<256x512xf32>
      %sub3A_66 = vector.broadcast %get3A_52 : vector<256x1xf32> to vector<256x512xf32>
      %sub3A_67 = vector.broadcast %slice3A_10 : vector<1x512xf32> to vector<256x512xf32>
      %sub3A_68 = arith.subf %sub3A_66, %sub3A_67 : vector<256x512xf32>
      %sub3A_69 = vector.broadcast %get3A_57 : vector<256x1xf32> to vector<256x512xf32>
      %sub3A_70 = vector.broadcast %slice3A_11 : vector<1x512xf32> to vector<256x512xf32>
      %sub3A_71 = arith.subf %sub3A_69, %sub3A_70 : vector<256x512xf32>
      %mul3A_72 = arith.mulf %sub3A_65, %sub3A_65 : vector<256x512xf32>
      %mul3A_73 = arith.mulf %sub3A_68, %sub3A_68 : vector<256x512xf32>
      %add3A_74 = arith.addf %mul3A_72, %mul3A_73 : vector<256x512xf32>
      %mul3A_75 = arith.mulf %sub3A_71, %sub3A_71 : vector<256x512xf32>
      %add3A_76 = arith.addf %add3A_74, %mul3A_75 : vector<256x512xf32>
      %le3A = arith.constant 2.500000e+01 : f32
      %le3A_77 = vector.broadcast %le3A : f32 to vector<256x512xf32>
      %le3A_78 = arith.cmpf ole, %add3A_76, %le3A_77 : vector<256x512xf32>
      %add3A_79 = vector.broadcast %mul3A_42 : i32 to vector<256x512xi32>
      %add3A_80 = arith.addi %iota3A, %add3A_79 : vector<256x512xi32>
      %ne3A = arith.cmpi ne, %add3A_80, %add3A_13 : vector<256x512xi32>
      %and3A = arith.andi %le3A_78, %ne3A : vector<256x512xi1>
      %slice3A_81 = vector.extract_strided_slice %get3A_9 {offsets = [0, 0], sizes = [1, 512], strides = [1, 1]} : vector<6x512xf32> to vector<1x512xf32>
      %sub3A_82 = vector.broadcast %slice3A_81 : vector<1x512xf32> to vector<256x512xf32>
      %sub3A_83 = vector.broadcast %get3A_47 : vector<256x1xf32> to vector<256x512xf32>
      %sub3A_84 = arith.subf %sub3A_82, %sub3A_83 : vector<256x512xf32>
      %slice3A_85 = vector.extract_strided_slice %get3A_9 {offsets = [1, 0], sizes = [1, 512], strides = [1, 1]} : vector<6x512xf32> to vector<1x512xf32>
      %sub3A_86 = vector.broadcast %slice3A_85 : vector<1x512xf32> to vector<256x512xf32>
      %sub3A_87 = vector.broadcast %get3A_52 : vector<256x1xf32> to vector<256x512xf32>
      %sub3A_88 = arith.subf %sub3A_86, %sub3A_87 : vector<256x512xf32>
      %slice3A_89 = vector.extract_strided_slice %get3A_9 {offsets = [2, 0], sizes = [1, 512], strides = [1, 1]} : vector<6x512xf32> to vector<1x512xf32>
      %sub3A_90 = vector.broadcast %slice3A_89 : vector<1x512xf32> to vector<256x512xf32>
      %sub3A_91 = vector.broadcast %get3A_57 : vector<256x1xf32> to vector<256x512xf32>
      %sub3A_92 = arith.subf %sub3A_90, %sub3A_91 : vector<256x512xf32>
      %mul3A_93 = arith.mulf %sub3A_84, %sub3A_84 : vector<256x512xf32>
      %mul3A_94 = arith.mulf %sub3A_88, %sub3A_88 : vector<256x512xf32>
      %add3A_95 = arith.addf %mul3A_93, %mul3A_94 : vector<256x512xf32>
      %mul3A_96 = arith.mulf %sub3A_92, %sub3A_92 : vector<256x512xf32>
      %add3A_97 = arith.addf %add3A_95, %mul3A_96 : vector<256x512xf32>
      %mul3A_98 = vector.broadcast %get3A_62 : vector<256x1xf32> to vector<256x512xf32>
      %mul3A_99 = arith.mulf %add3A_97, %mul3A_98 : vector<256x512xf32>
      %exp3A_100 = math.exp %mul3A_99 : vector<256x512xf32>
      %sub3A_101 = arith.constant 1.000000e+00 : f32
      %sub3A_102 = vector.broadcast %sub3A_101 : f32 to vector<256x512xf32>
      %sub3A_103 = arith.subf %sub3A_102, %exp3A_100 : vector<256x512xf32>
      %log3A = math.log %sub3A_103 : vector<256x512xf32>
      %jit3A = arith.constant 0.000000e+00 : f32
      %broadcast_in_dim3A_104 = vector.broadcast %jit3A : f32 to vector<256x512xf32>
      %select_n3A = arith.select %and3A, %log3A, %broadcast_in_dim3A_104 : vector<256x512xi1>, vector<256x512xf32>
      %reshape3A = vector.shape_cast %select_n3A : vector<256x512xf32> to vector<32x8x512xf32>
      %reduce_sum3A_105 = arith.constant dense<0.000000e+00> : vector<8x512xf32>
      %reduce_sum3A_106 = vector.multi_reduction <add>, %reshape3A, %reduce_sum3A_105 [0] : vector<32x8x512xf32> to vector<8x512xf32>
      %add3A_107 = arith.addf %scan3A_39, %reduce_sum3A_106 : vector<8x512xf32>
      %slice3A_108 = vector.extract_strided_slice %get3A_9 {offsets = [3, 0], sizes = [1, 512], strides = [1, 1]} : vector<6x512xf32> to vector<1x512xf32>
      %sub3A_109 = vector.broadcast %slice3A_108 : vector<1x512xf32> to vector<256x512xf32>
      %sub3A_110 = vector.broadcast %get3A_47 : vector<256x1xf32> to vector<256x512xf32>
      %sub3A_111 = arith.subf %sub3A_109, %sub3A_110 : vector<256x512xf32>
      %slice3A_112 = vector.extract_strided_slice %get3A_9 {offsets = [4, 0], sizes = [1, 512], strides = [1, 1]} : vector<6x512xf32> to vector<1x512xf32>
      %sub3A_113 = vector.broadcast %slice3A_112 : vector<1x512xf32> to vector<256x512xf32>
      %sub3A_114 = vector.broadcast %get3A_52 : vector<256x1xf32> to vector<256x512xf32>
      %sub3A_115 = arith.subf %sub3A_113, %sub3A_114 : vector<256x512xf32>
      %slice3A_116 = vector.extract_strided_slice %get3A_9 {offsets = [5, 0], sizes = [1, 512], strides = [1, 1]} : vector<6x512xf32> to vector<1x512xf32>
      %sub3A_117 = vector.broadcast %slice3A_116 : vector<1x512xf32> to vector<256x512xf32>
      %sub3A_118 = vector.broadcast %get3A_57 : vector<256x1xf32> to vector<256x512xf32>
      %sub3A_119 = arith.subf %sub3A_117, %sub3A_118 : vector<256x512xf32>
      %mul3A_120 = arith.mulf %sub3A_111, %sub3A_111 : vector<256x512xf32>
      %mul3A_121 = arith.mulf %sub3A_115, %sub3A_115 : vector<256x512xf32>
      %add3A_122 = arith.addf %mul3A_120, %mul3A_121 : vector<256x512xf32>
      %mul3A_123 = arith.mulf %sub3A_119, %sub3A_119 : vector<256x512xf32>
      %add3A_124 = arith.addf %add3A_122, %mul3A_123 : vector<256x512xf32>
      %mul3A_125 = vector.broadcast %get3A_62 : vector<256x1xf32> to vector<256x512xf32>
      %mul3A_126 = arith.mulf %add3A_124, %mul3A_125 : vector<256x512xf32>
      %exp3A_127 = math.exp %mul3A_126 : vector<256x512xf32>
      %sub3A_128 = arith.constant 1.000000e+00 : f32
      %sub3A_129 = vector.broadcast %sub3A_128 : f32 to vector<256x512xf32>
      %sub3A_130 = arith.subf %sub3A_129, %exp3A_127 : vector<256x512xf32>
      %log3A_131 = math.log %sub3A_130 : vector<256x512xf32>
      %jit3A_132 = arith.constant 0.000000e+00 : f32
      %broadcast_in_dim3A_133 = vector.broadcast %jit3A_132 : f32 to vector<256x512xf32>
      %select_n3A_134 = arith.select %and3A, %log3A_131, %broadcast_in_dim3A_133 : vector<256x512xi1>, vector<256x512xf32>
      %reshape3A_135 = vector.shape_cast %select_n3A_134 : vector<256x512xf32> to vector<32x8x512xf32>
      %reduce_sum3A_136 = arith.constant dense<0.000000e+00> : vector<8x512xf32>
      %reduce_sum3A_137 = vector.multi_reduction <add>, %reshape3A_135, %reduce_sum3A_136 [0] : vector<32x8x512xf32> to vector<8x512xf32>
      %add3A_138 = arith.addf %scan3A_40, %reduce_sum3A_137 : vector<8x512xf32>
      %scan3A_139 = arith.constant 1 : i32
      %scan3A_140 = arith.addi %scan3A_38, %scan3A_139 : i32
      %mul3A_141 = arith.constant 256 : i32
      %mul3A_142 = arith.muli %scan3A_140, %mul3A_141 : i32
      %get3A_143 = arith.constant 0 : index
      %get3A_144 = arith.index_cast %mul3A_142 : i32 to index
      %get3A_145 = arith.constant 0 : index
      %get3A_146 = vector.load %arg4[%get3A_143, %get3A_144, %get3A_145] : memref<1x2048x3xf32, #tpu.memory_space<vmem>>, vector<1x256x1xf32>
      %get3A_147 = vector.shape_cast %get3A_146 : vector<1x256x1xf32> to vector<256x1xf32>
      %get3A_148 = arith.constant 0 : index
      %get3A_149 = arith.index_cast %mul3A_142 : i32 to index
      %get3A_150 = arith.constant 1 : index
      %get3A_151 = vector.load %arg4[%get3A_148, %get3A_149, %get3A_150] : memref<1x2048x3xf32, #tpu.memory_space<vmem>>, vector<1x256x1xf32>
      %get3A_152 = vector.shape_cast %get3A_151 : vector<1x256x1xf32> to vector<256x1xf32>
      %get3A_153 = arith.constant 0 : index
      %get3A_154 = arith.index_cast %mul3A_142 : i32 to index
      %get3A_155 = arith.constant 2 : index
      %get3A_156 = vector.load %arg4[%get3A_153, %get3A_154, %get3A_155] : memref<1x2048x3xf32, #tpu.memory_space<vmem>>, vector<1x256x1xf32>
      %get3A_157 = vector.shape_cast %get3A_156 : vector<1x256x1xf32> to vector<256x1xf32>
      %get3A_158 = arith.constant 0 : index
      %get3A_159 = arith.index_cast %mul3A_142 : i32 to index
      %get3A_160 = arith.constant 0 : index
      %get3A_161 = vector.load %arg5[%get3A_158, %get3A_159, %get3A_160] : memref<1x2048x1xf32, #tpu.memory_space<vmem>>, vector<1x256x1xf32>
      %get3A_162 = vector.shape_cast %get3A_161 : vector<1x256x1xf32> to vector<256x1xf32>
      %sub3A_163 = vector.broadcast %get3A_147 : vector<256x1xf32> to vector<256x512xf32>
      %sub3A_164 = vector.broadcast %slice3A : vector<1x512xf32> to vector<256x512xf32>
      %sub3A_165 = arith.subf %sub3A_163, %sub3A_164 : vector<256x512xf32>
      %sub3A_166 = vector.broadcast %get3A_152 : vector<256x1xf32> to vector<256x512xf32>
      %sub3A_167 = vector.broadcast %slice3A_10 : vector<1x512xf32> to vector<256x512xf32>
      %sub3A_168 = arith.subf %sub3A_166, %sub3A_167 : vector<256x512xf32>
      %sub3A_169 = vector.broadcast %get3A_157 : vector<256x1xf32> to vector<256x512xf32>
      %sub3A_170 = vector.broadcast %slice3A_11 : vector<1x512xf32> to vector<256x512xf32>
      %sub3A_171 = arith.subf %sub3A_169, %sub3A_170 : vector<256x512xf32>
      %mul3A_172 = arith.mulf %sub3A_165, %sub3A_165 : vector<256x512xf32>
      %mul3A_173 = arith.mulf %sub3A_168, %sub3A_168 : vector<256x512xf32>
      %add3A_174 = arith.addf %mul3A_172, %mul3A_173 : vector<256x512xf32>
      %mul3A_175 = arith.mulf %sub3A_171, %sub3A_171 : vector<256x512xf32>
      %add3A_176 = arith.addf %add3A_174, %mul3A_175 : vector<256x512xf32>
      %le3A_177 = arith.constant 2.500000e+01 : f32
      %le3A_178 = vector.broadcast %le3A_177 : f32 to vector<256x512xf32>
      %le3A_179 = arith.cmpf ole, %add3A_176, %le3A_178 : vector<256x512xf32>
      %add3A_180 = vector.broadcast %mul3A_142 : i32 to vector<256x512xi32>
      %add3A_181 = arith.addi %iota3A, %add3A_180 : vector<256x512xi32>
      %ne3A_182 = arith.cmpi ne, %add3A_181, %add3A_13 : vector<256x512xi32>
      %and3A_183 = arith.andi %le3A_179, %ne3A_182 : vector<256x512xi1>
      %slice3A_184 = vector.extract_strided_slice %get3A_9 {offsets = [0, 0], sizes = [1, 512], strides = [1, 1]} : vector<6x512xf32> to vector<1x512xf32>
      %sub3A_185 = vector.broadcast %slice3A_184 : vector<1x512xf32> to vector<256x512xf32>
      %sub3A_186 = vector.broadcast %get3A_147 : vector<256x1xf32> to vector<256x512xf32>
      %sub3A_187 = arith.subf %sub3A_185, %sub3A_186 : vector<256x512xf32>
      %slice3A_188 = vector.extract_strided_slice %get3A_9 {offsets = [1, 0], sizes = [1, 512], strides = [1, 1]} : vector<6x512xf32> to vector<1x512xf32>
      %sub3A_189 = vector.broadcast %slice3A_188 : vector<1x512xf32> to vector<256x512xf32>
      %sub3A_190 = vector.broadcast %get3A_152 : vector<256x1xf32> to vector<256x512xf32>
      %sub3A_191 = arith.subf %sub3A_189, %sub3A_190 : vector<256x512xf32>
      %slice3A_192 = vector.extract_strided_slice %get3A_9 {offsets = [2, 0], sizes = [1, 512], strides = [1, 1]} : vector<6x512xf32> to vector<1x512xf32>
      %sub3A_193 = vector.broadcast %slice3A_192 : vector<1x512xf32> to vector<256x512xf32>
      %sub3A_194 = vector.broadcast %get3A_157 : vector<256x1xf32> to vector<256x512xf32>
      %sub3A_195 = arith.subf %sub3A_193, %sub3A_194 : vector<256x512xf32>
      %mul3A_196 = arith.mulf %sub3A_187, %sub3A_187 : vector<256x512xf32>
      %mul3A_197 = arith.mulf %sub3A_191, %sub3A_191 : vector<256x512xf32>
      %add3A_198 = arith.addf %mul3A_196, %mul3A_197 : vector<256x512xf32>
      %mul3A_199 = arith.mulf %sub3A_195, %sub3A_195 : vector<256x512xf32>
      %add3A_200 = arith.addf %add3A_198, %mul3A_199 : vector<256x512xf32>
      %mul3A_201 = vector.broadcast %get3A_162 : vector<256x1xf32> to vector<256x512xf32>
      %mul3A_202 = arith.mulf %add3A_200, %mul3A_201 : vector<256x512xf32>
      %exp3A_203 = math.exp %mul3A_202 : vector<256x512xf32>
      %sub3A_204 = arith.constant 1.000000e+00 : f32
      %sub3A_205 = vector.broadcast %sub3A_204 : f32 to vector<256x512xf32>
      %sub3A_206 = arith.subf %sub3A_205, %exp3A_203 : vector<256x512xf32>
      %log3A_207 = math.log %sub3A_206 : vector<256x512xf32>
      %jit3A_208 = arith.constant 0.000000e+00 : f32
      %broadcast_in_dim3A_209 = vector.broadcast %jit3A_208 : f32 to vector<256x512xf32>
      %select_n3A_210 = arith.select %and3A_183, %log3A_207, %broadcast_in_dim3A_209 : vector<256x512xi1>, vector<256x512xf32>
      %reshape3A_211 = vector.shape_cast %select_n3A_210 : vector<256x512xf32> to vector<32x8x512xf32>
      %reduce_sum3A_212 = arith.constant dense<0.000000e+00> : vector<8x512xf32>
      %reduce_sum3A_213 = vector.multi_reduction <add>, %reshape3A_211, %reduce_sum3A_212 [0] : vector<32x8x512xf32> to vector<8x512xf32>
      %add3A_214 = arith.addf %add3A_107, %reduce_sum3A_213 : vector<8x512xf32>
      %slice3A_215 = vector.extract_strided_slice %get3A_9 {offsets = [3, 0], sizes = [1, 512], strides = [1, 1]} : vector<6x512xf32> to vector<1x512xf32>
      %sub3A_216 = vector.broadcast %slice3A_215 : vector<1x512xf32> to vector<256x512xf32>
      %sub3A_217 = vector.broadcast %get3A_147 : vector<256x1xf32> to vector<256x512xf32>
      %sub3A_218 = arith.subf %sub3A_216, %sub3A_217 : vector<256x512xf32>
      %slice3A_219 = vector.extract_strided_slice %get3A_9 {offsets = [4, 0], sizes = [1, 512], strides = [1, 1]} : vector<6x512xf32> to vector<1x512xf32>
      %sub3A_220 = vector.broadcast %slice3A_219 : vector<1x512xf32> to vector<256x512xf32>
      %sub3A_221 = vector.broadcast %get3A_152 : vector<256x1xf32> to vector<256x512xf32>
      %sub3A_222 = arith.subf %sub3A_220, %sub3A_221 : vector<256x512xf32>
      %slice3A_223 = vector.extract_strided_slice %get3A_9 {offsets = [5, 0], sizes = [1, 512], strides = [1, 1]} : vector<6x512xf32> to vector<1x512xf32>
      %sub3A_224 = vector.broadcast %slice3A_223 : vector<1x512xf32> to vector<256x512xf32>
      %sub3A_225 = vector.broadcast %get3A_157 : vector<256x1xf32> to vector<256x512xf32>
      %sub3A_226 = arith.subf %sub3A_224, %sub3A_225 : vector<256x512xf32>
      %mul3A_227 = arith.mulf %sub3A_218, %sub3A_218 : vector<256x512xf32>
      %mul3A_228 = arith.mulf %sub3A_222, %sub3A_222 : vector<256x512xf32>
      %add3A_229 = arith.addf %mul3A_227, %mul3A_228 : vector<256x512xf32>
      %mul3A_230 = arith.mulf %sub3A_226, %sub3A_226 : vector<256x512xf32>
      %add3A_231 = arith.addf %add3A_229, %mul3A_230 : vector<256x512xf32>
      %mul3A_232 = vector.broadcast %get3A_162 : vector<256x1xf32> to vector<256x512xf32>
      %mul3A_233 = arith.mulf %add3A_231, %mul3A_232 : vector<256x512xf32>
      %exp3A_234 = math.exp %mul3A_233 : vector<256x512xf32>
      %sub3A_235 = arith.constant 1.000000e+00 : f32
      %sub3A_236 = vector.broadcast %sub3A_235 : f32 to vector<256x512xf32>
      %sub3A_237 = arith.subf %sub3A_236, %exp3A_234 : vector<256x512xf32>
      %log3A_238 = math.log %sub3A_237 : vector<256x512xf32>
      %jit3A_239 = arith.constant 0.000000e+00 : f32
      %broadcast_in_dim3A_240 = vector.broadcast %jit3A_239 : f32 to vector<256x512xf32>
      %select_n3A_241 = arith.select %and3A_183, %log3A_238, %broadcast_in_dim3A_240 : vector<256x512xi1>, vector<256x512xf32>
      %reshape3A_242 = vector.shape_cast %select_n3A_241 : vector<256x512xf32> to vector<32x8x512xf32>
      %reduce_sum3A_243 = arith.constant dense<0.000000e+00> : vector<8x512xf32>
      %reduce_sum3A_244 = vector.multi_reduction <add>, %reshape3A_242, %reduce_sum3A_243 [0] : vector<32x8x512xf32> to vector<8x512xf32>
      %add3A_245 = arith.addf %add3A_138, %reduce_sum3A_244 : vector<8x512xf32>
      %scan3A_246 = arith.constant 2 : i32
      %scan3A_247 = arith.addi %scan3A_38, %scan3A_246 : i32
      %mul3A_248 = arith.constant 256 : i32
      %mul3A_249 = arith.muli %scan3A_247, %mul3A_248 : i32
      %get3A_250 = arith.constant 0 : index
      %get3A_251 = arith.index_cast %mul3A_249 : i32 to index
      %get3A_252 = arith.constant 0 : index
      %get3A_253 = vector.load %arg4[%get3A_250, %get3A_251, %get3A_252] : memref<1x2048x3xf32, #tpu.memory_space<vmem>>, vector<1x256x1xf32>
      %get3A_254 = vector.shape_cast %get3A_253 : vector<1x256x1xf32> to vector<256x1xf32>
      %get3A_255 = arith.constant 0 : index
      %get3A_256 = arith.index_cast %mul3A_249 : i32 to index
      %get3A_257 = arith.constant 1 : index
      %get3A_258 = vector.load %arg4[%get3A_255, %get3A_256, %get3A_257] : memref<1x2048x3xf32, #tpu.memory_space<vmem>>, vector<1x256x1xf32>
      %get3A_259 = vector.shape_cast %get3A_258 : vector<1x256x1xf32> to vector<256x1xf32>
      %get3A_260 = arith.constant 0 : index
      %get3A_261 = arith.index_cast %mul3A_249 : i32 to index
      %get3A_262 = arith.constant 2 : index
      %get3A_263 = vector.load %arg4[%get3A_260, %get3A_261, %get3A_262] : memref<1x2048x3xf32, #tpu.memory_space<vmem>>, vector<1x256x1xf32>
      %get3A_264 = vector.shape_cast %get3A_263 : vector<1x256x1xf32> to vector<256x1xf32>
      %get3A_265 = arith.constant 0 : index
      %get3A_266 = arith.index_cast %mul3A_249 : i32 to index
      %get3A_267 = arith.constant 0 : index
      %get3A_268 = vector.load %arg5[%get3A_265, %get3A_266, %get3A_267] : memref<1x2048x1xf32, #tpu.memory_space<vmem>>, vector<1x256x1xf32>
      %get3A_269 = vector.shape_cast %get3A_268 : vector<1x256x1xf32> to vector<256x1xf32>
      %sub3A_270 = vector.broadcast %get3A_254 : vector<256x1xf32> to vector<256x512xf32>
      %sub3A_271 = vector.broadcast %slice3A : vector<1x512xf32> to vector<256x512xf32>
      %sub3A_272 = arith.subf %sub3A_270, %sub3A_271 : vector<256x512xf32>
      %sub3A_273 = vector.broadcast %get3A_259 : vector<256x1xf32> to vector<256x512xf32>
      %sub3A_274 = vector.broadcast %slice3A_10 : vector<1x512xf32> to vector<256x512xf32>
      %sub3A_275 = arith.subf %sub3A_273, %sub3A_274 : vector<256x512xf32>
      %sub3A_276 = vector.broadcast %get3A_264 : vector<256x1xf32> to vector<256x512xf32>
      %sub3A_277 = vector.broadcast %slice3A_11 : vector<1x512xf32> to vector<256x512xf32>
      %sub3A_278 = arith.subf %sub3A_276, %sub3A_277 : vector<256x512xf32>
      %mul3A_279 = arith.mulf %sub3A_272, %sub3A_272 : vector<256x512xf32>
      %mul3A_280 = arith.mulf %sub3A_275, %sub3A_275 : vector<256x512xf32>
      %add3A_281 = arith.addf %mul3A_279, %mul3A_280 : vector<256x512xf32>
      %mul3A_282 = arith.mulf %sub3A_278, %sub3A_278 : vector<256x512xf32>
      %add3A_283 = arith.addf %add3A_281, %mul3A_282 : vector<256x512xf32>
      %le3A_284 = arith.constant 2.500000e+01 : f32
      %le3A_285 = vector.broadcast %le3A_284 : f32 to vector<256x512xf32>
      %le3A_286 = arith.cmpf ole, %add3A_283, %le3A_285 : vector<256x512xf32>
      %add3A_287 = vector.broadcast %mul3A_249 : i32 to vector<256x512xi32>
      %add3A_288 = arith.addi %iota3A, %add3A_287 : vector<256x512xi32>
      %ne3A_289 = arith.cmpi ne, %add3A_288, %add3A_13 : vector<256x512xi32>
      %and3A_290 = arith.andi %le3A_286, %ne3A_289 : vector<256x512xi1>
      %slice3A_291 = vector.extract_strided_slice %get3A_9 {offsets = [0, 0], sizes = [1, 512], strides = [1, 1]} : vector<6x512xf32> to vector<1x512xf32>
      %sub3A_292 = vector.broadcast %slice3A_291 : vector<1x512xf32> to vector<256x512xf32>
      %sub3A_293 = vector.broadcast %get3A_254 : vector<256x1xf32> to vector<256x512xf32>
      %sub3A_294 = arith.subf %sub3A_292, %sub3A_293 : vector<256x512xf32>
      %slice3A_295 = vector.extract_strided_slice %get3A_9 {offsets = [1, 0], sizes = [1, 512], strides = [1, 1]} : vector<6x512xf32> to vector<1x512xf32>
      %sub3A_296 = vector.broadcast %slice3A_295 : vector<1x512xf32> to vector<256x512xf32>
      %sub3A_297 = vector.broadcast %get3A_259 : vector<256x1xf32> to vector<256x512xf32>
      %sub3A_298 = arith.subf %sub3A_296, %sub3A_297 : vector<256x512xf32>
      %slice3A_299 = vector.extract_strided_slice %get3A_9 {offsets = [2, 0], sizes = [1, 512], strides = [1, 1]} : vector<6x512xf32> to vector<1x512xf32>
      %sub3A_300 = vector.broadcast %slice3A_299 : vector<1x512xf32> to vector<256x512xf32>
      %sub3A_301 = vector.broadcast %get3A_264 : vector<256x1xf32> to vector<256x512xf32>
      %sub3A_302 = arith.subf %sub3A_300, %sub3A_301 : vector<256x512xf32>
      %mul3A_303 = arith.mulf %sub3A_294, %sub3A_294 : vector<256x512xf32>
      %mul3A_304 = arith.mulf %sub3A_298, %sub3A_298 : vector<256x512xf32>
      %add3A_305 = arith.addf %mul3A_303, %mul3A_304 : vector<256x512xf32>
      %mul3A_306 = arith.mulf %sub3A_302, %sub3A_302 : vector<256x512xf32>
      %add3A_307 = arith.addf %add3A_305, %mul3A_306 : vector<256x512xf32>
      %mul3A_308 = vector.broadcast %get3A_269 : vector<256x1xf32> to vector<256x512xf32>
      %mul3A_309 = arith.mulf %add3A_307, %mul3A_308 : vector<256x512xf32>
      %exp3A_310 = math.exp %mul3A_309 : vector<256x512xf32>
      %sub3A_311 = arith.constant 1.000000e+00 : f32
      %sub3A_312 = vector.broadcast %sub3A_311 : f32 to vector<256x512xf32>
      %sub3A_313 = arith.subf %sub3A_312, %exp3A_310 : vector<256x512xf32>
      %log3A_314 = math.log %sub3A_313 : vector<256x512xf32>
      %jit3A_315 = arith.constant 0.000000e+00 : f32
      %broadcast_in_dim3A_316 = vector.broadcast %jit3A_315 : f32 to vector<256x512xf32>
      %select_n3A_317 = arith.select %and3A_290, %log3A_314, %broadcast_in_dim3A_316 : vector<256x512xi1>, vector<256x512xf32>
      %reshape3A_318 = vector.shape_cast %select_n3A_317 : vector<256x512xf32> to vector<32x8x512xf32>
      %reduce_sum3A_319 = arith.constant dense<0.000000e+00> : vector<8x512xf32>
      %reduce_sum3A_320 = vector.multi_reduction <add>, %reshape3A_318, %reduce_sum3A_319 [0] : vector<32x8x512xf32> to vector<8x512xf32>
      %add3A_321 = arith.addf %add3A_214, %reduce_sum3A_320 : vector<8x512xf32>
      %slice3A_322 = vector.extract_strided_slice %get3A_9 {offsets = [3, 0], sizes = [1, 512], strides = [1, 1]} : vector<6x512xf32> to vector<1x512xf32>
      %sub3A_323 = vector.broadcast %slice3A_322 : vector<1x512xf32> to vector<256x512xf32>
      %sub3A_324 = vector.broadcast %get3A_254 : vector<256x1xf32> to vector<256x512xf32>
      %sub3A_325 = arith.subf %sub3A_323, %sub3A_324 : vector<256x512xf32>
      %slice3A_326 = vector.extract_strided_slice %get3A_9 {offsets = [4, 0], sizes = [1, 512], strides = [1, 1]} : vector<6x512xf32> to vector<1x512xf32>
      %sub3A_327 = vector.broadcast %slice3A_326 : vector<1x512xf32> to vector<256x512xf32>
      %sub3A_328 = vector.broadcast %get3A_259 : vector<256x1xf32> to vector<256x512xf32>
      %sub3A_329 = arith.subf %sub3A_327, %sub3A_328 : vector<256x512xf32>
      %slice3A_330 = vector.extract_strided_slice %get3A_9 {offsets = [5, 0], sizes = [1, 512], strides = [1, 1]} : vector<6x512xf32> to vector<1x512xf32>
      %sub3A_331 = vector.broadcast %slice3A_330 : vector<1x512xf32> to vector<256x512xf32>
      %sub3A_332 = vector.broadcast %get3A_264 : vector<256x1xf32> to vector<256x512xf32>
      %sub3A_333 = arith.subf %sub3A_331, %sub3A_332 : vector<256x512xf32>
      %mul3A_334 = arith.mulf %sub3A_325, %sub3A_325 : vector<256x512xf32>
      %mul3A_335 = arith.mulf %sub3A_329, %sub3A_329 : vector<256x512xf32>
      %add3A_336 = arith.addf %mul3A_334, %mul3A_335 : vector<256x512xf32>
      %mul3A_337 = arith.mulf %sub3A_333, %sub3A_333 : vector<256x512xf32>
      %add3A_338 = arith.addf %add3A_336, %mul3A_337 : vector<256x512xf32>
      %mul3A_339 = vector.broadcast %get3A_269 : vector<256x1xf32> to vector<256x512xf32>
      %mul3A_340 = arith.mulf %add3A_338, %mul3A_339 : vector<256x512xf32>
      %exp3A_341 = math.exp %mul3A_340 : vector<256x512xf32>
      %sub3A_342 = arith.constant 1.000000e+00 : f32
      %sub3A_343 = vector.broadcast %sub3A_342 : f32 to vector<256x512xf32>
      %sub3A_344 = arith.subf %sub3A_343, %exp3A_341 : vector<256x512xf32>
      %log3A_345 = math.log %sub3A_344 : vector<256x512xf32>
      %jit3A_346 = arith.constant 0.000000e+00 : f32
      %broadcast_in_dim3A_347 = vector.broadcast %jit3A_346 : f32 to vector<256x512xf32>
      %select_n3A_348 = arith.select %and3A_290, %log3A_345, %broadcast_in_dim3A_347 : vector<256x512xi1>, vector<256x512xf32>
      %reshape3A_349 = vector.shape_cast %select_n3A_348 : vector<256x512xf32> to vector<32x8x512xf32>
      %reduce_sum3A_350 = arith.constant dense<0.000000e+00> : vector<8x512xf32>
      %reduce_sum3A_351 = vector.multi_reduction <add>, %reshape3A_349, %reduce_sum3A_350 [0] : vector<32x8x512xf32> to vector<8x512xf32>
      %add3A_352 = arith.addf %add3A_245, %reduce_sum3A_351 : vector<8x512xf32>
      %scan3A_353 = arith.constant 3 : i32
      %scan3A_354 = arith.addi %scan3A_38, %scan3A_353 : i32
      %mul3A_355 = arith.constant 256 : i32
      %mul3A_356 = arith.muli %scan3A_354, %mul3A_355 : i32
      %get3A_357 = arith.constant 0 : index
      %get3A_358 = arith.index_cast %mul3A_356 : i32 to index
      %get3A_359 = arith.constant 0 : index
      %get3A_360 = vector.load %arg4[%get3A_357, %get3A_358, %get3A_359] : memref<1x2048x3xf32, #tpu.memory_space<vmem>>, vector<1x256x1xf32>
      %get3A_361 = vector.shape_cast %get3A_360 : vector<1x256x1xf32> to vector<256x1xf32>
      %get3A_362 = arith.constant 0 : index
      %get3A_363 = arith.index_cast %mul3A_356 : i32 to index
      %get3A_364 = arith.constant 1 : index
      %get3A_365 = vector.load %arg4[%get3A_362, %get3A_363, %get3A_364] : memref<1x2048x3xf32, #tpu.memory_space<vmem>>, vector<1x256x1xf32>
      %get3A_366 = vector.shape_cast %get3A_365 : vector<1x256x1xf32> to vector<256x1xf32>
      %get3A_367 = arith.constant 0 : index
      %get3A_368 = arith.index_cast %mul3A_356 : i32 to index
      %get3A_369 = arith.constant 2 : index
      %get3A_370 = vector.load %arg4[%get3A_367, %get3A_368, %get3A_369] : memref<1x2048x3xf32, #tpu.memory_space<vmem>>, vector<1x256x1xf32>
      %get3A_371 = vector.shape_cast %get3A_370 : vector<1x256x1xf32> to vector<256x1xf32>
      %get3A_372 = arith.constant 0 : index
      %get3A_373 = arith.index_cast %mul3A_356 : i32 to index
      %get3A_374 = arith.constant 0 : index
      %get3A_375 = vector.load %arg5[%get3A_372, %get3A_373, %get3A_374] : memref<1x2048x1xf32, #tpu.memory_space<vmem>>, vector<1x256x1xf32>
      %get3A_376 = vector.shape_cast %get3A_375 : vector<1x256x1xf32> to vector<256x1xf32>
      %sub3A_377 = vector.broadcast %get3A_361 : vector<256x1xf32> to vector<256x512xf32>
      %sub3A_378 = vector.broadcast %slice3A : vector<1x512xf32> to vector<256x512xf32>
      %sub3A_379 = arith.subf %sub3A_377, %sub3A_378 : vector<256x512xf32>
      %sub3A_380 = vector.broadcast %get3A_366 : vector<256x1xf32> to vector<256x512xf32>
      %sub3A_381 = vector.broadcast %slice3A_10 : vector<1x512xf32> to vector<256x512xf32>
      %sub3A_382 = arith.subf %sub3A_380, %sub3A_381 : vector<256x512xf32>
      %sub3A_383 = vector.broadcast %get3A_371 : vector<256x1xf32> to vector<256x512xf32>
      %sub3A_384 = vector.broadcast %slice3A_11 : vector<1x512xf32> to vector<256x512xf32>
      %sub3A_385 = arith.subf %sub3A_383, %sub3A_384 : vector<256x512xf32>
      %mul3A_386 = arith.mulf %sub3A_379, %sub3A_379 : vector<256x512xf32>
      %mul3A_387 = arith.mulf %sub3A_382, %sub3A_382 : vector<256x512xf32>
      %add3A_388 = arith.addf %mul3A_386, %mul3A_387 : vector<256x512xf32>
      %mul3A_389 = arith.mulf %sub3A_385, %sub3A_385 : vector<256x512xf32>
      %add3A_390 = arith.addf %add3A_388, %mul3A_389 : vector<256x512xf32>
      %le3A_391 = arith.constant 2.500000e+01 : f32
      %le3A_392 = vector.broadcast %le3A_391 : f32 to vector<256x512xf32>
      %le3A_393 = arith.cmpf ole, %add3A_390, %le3A_392 : vector<256x512xf32>
      %add3A_394 = vector.broadcast %mul3A_356 : i32 to vector<256x512xi32>
      %add3A_395 = arith.addi %iota3A, %add3A_394 : vector<256x512xi32>
      %ne3A_396 = arith.cmpi ne, %add3A_395, %add3A_13 : vector<256x512xi32>
      %and3A_397 = arith.andi %le3A_393, %ne3A_396 : vector<256x512xi1>
      %slice3A_398 = vector.extract_strided_slice %get3A_9 {offsets = [0, 0], sizes = [1, 512], strides = [1, 1]} : vector<6x512xf32> to vector<1x512xf32>
      %sub3A_399 = vector.broadcast %slice3A_398 : vector<1x512xf32> to vector<256x512xf32>
      %sub3A_400 = vector.broadcast %get3A_361 : vector<256x1xf32> to vector<256x512xf32>
      %sub3A_401 = arith.subf %sub3A_399, %sub3A_400 : vector<256x512xf32>
      %slice3A_402 = vector.extract_strided_slice %get3A_9 {offsets = [1, 0], sizes = [1, 512], strides = [1, 1]} : vector<6x512xf32> to vector<1x512xf32>
      %sub3A_403 = vector.broadcast %slice3A_402 : vector<1x512xf32> to vector<256x512xf32>
      %sub3A_404 = vector.broadcast %get3A_366 : vector<256x1xf32> to vector<256x512xf32>
      %sub3A_405 = arith.subf %sub3A_403, %sub3A_404 : vector<256x512xf32>
      %slice3A_406 = vector.extract_strided_slice %get3A_9 {offsets = [2, 0], sizes = [1, 512], strides = [1, 1]} : vector<6x512xf32> to vector<1x512xf32>
      %sub3A_407 = vector.broadcast %slice3A_406 : vector<1x512xf32> to vector<256x512xf32>
      %sub3A_408 = vector.broadcast %get3A_371 : vector<256x1xf32> to vector<256x512xf32>
      %sub3A_409 = arith.subf %sub3A_407, %sub3A_408 : vector<256x512xf32>
      %mul3A_410 = arith.mulf %sub3A_401, %sub3A_401 : vector<256x512xf32>
      %mul3A_411 = arith.mulf %sub3A_405, %sub3A_405 : vector<256x512xf32>
      %add3A_412 = arith.addf %mul3A_410, %mul3A_411 : vector<256x512xf32>
      %mul3A_413 = arith.mulf %sub3A_409, %sub3A_409 : vector<256x512xf32>
      %add3A_414 = arith.addf %add3A_412, %mul3A_413 : vector<256x512xf32>
      %mul3A_415 = vector.broadcast %get3A_376 : vector<256x1xf32> to vector<256x512xf32>
      %mul3A_416 = arith.mulf %add3A_414, %mul3A_415 : vector<256x512xf32>
      %exp3A_417 = math.exp %mul3A_416 : vector<256x512xf32>
      %sub3A_418 = arith.constant 1.000000e+00 : f32
      %sub3A_419 = vector.broadcast %sub3A_418 : f32 to vector<256x512xf32>
      %sub3A_420 = arith.subf %sub3A_419, %exp3A_417 : vector<256x512xf32>
      %log3A_421 = math.log %sub3A_420 : vector<256x512xf32>
      %jit3A_422 = arith.constant 0.000000e+00 : f32
      %broadcast_in_dim3A_423 = vector.broadcast %jit3A_422 : f32 to vector<256x512xf32>
      %select_n3A_424 = arith.select %and3A_397, %log3A_421, %broadcast_in_dim3A_423 : vector<256x512xi1>, vector<256x512xf32>
      %reshape3A_425 = vector.shape_cast %select_n3A_424 : vector<256x512xf32> to vector<32x8x512xf32>
      %reduce_sum3A_426 = arith.constant dense<0.000000e+00> : vector<8x512xf32>
      %reduce_sum3A_427 = vector.multi_reduction <add>, %reshape3A_425, %reduce_sum3A_426 [0] : vector<32x8x512xf32> to vector<8x512xf32>
      %add3A_428 = arith.addf %add3A_321, %reduce_sum3A_427 : vector<8x512xf32>
      %slice3A_429 = vector.extract_strided_slice %get3A_9 {offsets = [3, 0], sizes = [1, 512], strides = [1, 1]} : vector<6x512xf32> to vector<1x512xf32>
      %sub3A_430 = vector.broadcast %slice3A_429 : vector<1x512xf32> to vector<256x512xf32>
      %sub3A_431 = vector.broadcast %get3A_361 : vector<256x1xf32> to vector<256x512xf32>
      %sub3A_432 = arith.subf %sub3A_430, %sub3A_431 : vector<256x512xf32>
      %slice3A_433 = vector.extract_strided_slice %get3A_9 {offsets = [4, 0], sizes = [1, 512], strides = [1, 1]} : vector<6x512xf32> to vector<1x512xf32>
      %sub3A_434 = vector.broadcast %slice3A_433 : vector<1x512xf32> to vector<256x512xf32>
      %sub3A_435 = vector.broadcast %get3A_366 : vector<256x1xf32> to vector<256x512xf32>
      %sub3A_436 = arith.subf %sub3A_434, %sub3A_435 : vector<256x512xf32>
      %slice3A_437 = vector.extract_strided_slice %get3A_9 {offsets = [5, 0], sizes = [1, 512], strides = [1, 1]} : vector<6x512xf32> to vector<1x512xf32>
      %sub3A_438 = vector.broadcast %slice3A_437 : vector<1x512xf32> to vector<256x512xf32>
      %sub3A_439 = vector.broadcast %get3A_371 : vector<256x1xf32> to vector<256x512xf32>
      %sub3A_440 = arith.subf %sub3A_438, %sub3A_439 : vector<256x512xf32>
      %mul3A_441 = arith.mulf %sub3A_432, %sub3A_432 : vector<256x512xf32>
      %mul3A_442 = arith.mulf %sub3A_436, %sub3A_436 : vector<256x512xf32>
      %add3A_443 = arith.addf %mul3A_441, %mul3A_442 : vector<256x512xf32>
      %mul3A_444 = arith.mulf %sub3A_440, %sub3A_440 : vector<256x512xf32>
      %add3A_445 = arith.addf %add3A_443, %mul3A_444 : vector<256x512xf32>
      %mul3A_446 = vector.broadcast %get3A_376 : vector<256x1xf32> to vector<256x512xf32>
      %mul3A_447 = arith.mulf %add3A_445, %mul3A_446 : vector<256x512xf32>
      %exp3A_448 = math.exp %mul3A_447 : vector<256x512xf32>
      %sub3A_449 = arith.constant 1.000000e+00 : f32
      %sub3A_450 = vector.broadcast %sub3A_449 : f32 to vector<256x512xf32>
      %sub3A_451 = arith.subf %sub3A_450, %exp3A_448 : vector<256x512xf32>
      %log3A_452 = math.log %sub3A_451 : vector<256x512xf32>
      %jit3A_453 = arith.constant 0.000000e+00 : f32
      %broadcast_in_dim3A_454 = vector.broadcast %jit3A_453 : f32 to vector<256x512xf32>
      %select_n3A_455 = arith.select %and3A_397, %log3A_452, %broadcast_in_dim3A_454 : vector<256x512xi1>, vector<256x512xf32>
      %reshape3A_456 = vector.shape_cast %select_n3A_455 : vector<256x512xf32> to vector<32x8x512xf32>
      %reduce_sum3A_457 = arith.constant dense<0.000000e+00> : vector<8x512xf32>
      %reduce_sum3A_458 = vector.multi_reduction <add>, %reshape3A_456, %reduce_sum3A_457 [0] : vector<32x8x512xf32> to vector<8x512xf32>
      %add3A_459 = arith.addf %add3A_352, %reduce_sum3A_458 : vector<8x512xf32>
      scf.yield %add3A_428, %add3A_459 : vector<8x512xf32>, vector<8x512xf32>
    }
    %scan3A_21 = arith.constant 8 : i32
    %reduce_sum3A = arith.constant dense<0.000000e+00> : vector<512xf32>
    %reduce_sum3A_22 = vector.multi_reduction <add>, %scan3A_20#0, %reduce_sum3A [0] : vector<8x512xf32> to vector<512xf32>
    %broadcast_in_dim3A_23 = vector.shape_cast %reduce_sum3A_22 : vector<512xf32> to vector<1x512xf32>
    %exp3A = math.exp %broadcast_in_dim3A_23 : vector<1x512xf32>
    %sub3A = arith.constant 1.000000e+00 : f32
    %sub3A_24 = vector.broadcast %sub3A : f32 to vector<1x512xf32>
    %sub3A_25 = arith.subf %sub3A_24, %exp3A : vector<1x512xf32>
    %reduce_sum3A_26 = arith.constant dense<0.000000e+00> : vector<512xf32>
    %reduce_sum3A_27 = vector.multi_reduction <add>, %scan3A_20#1, %reduce_sum3A_26 [0] : vector<8x512xf32> to vector<512xf32>
    %broadcast_in_dim3A_28 = vector.shape_cast %reduce_sum3A_27 : vector<512xf32> to vector<1x512xf32>
    %exp3A_29 = math.exp %broadcast_in_dim3A_28 : vector<1x512xf32>
    %sub3A_30 = arith.constant 1.000000e+00 : f32
    %sub3A_31 = vector.broadcast %sub3A_30 : f32 to vector<1x512xf32>
    %sub3A_32 = arith.subf %sub3A_31, %exp3A_29 : vector<1x512xf32>
    %concatenate3A = tpu.concatenate %sub3A_25, %sub3A_32 in 0 : vector<1x512xf32>, vector<1x512xf32> -> vector<2x512xf32>
    %swap3A = arith.constant 0 : index
    %swap3A_33 = arith.constant 0 : index
    %swap3A_34 = arith.constant 0 : index
    %swap3A_35 = vector.load %arg6[%swap3A, %swap3A_33, %swap3A_34] : memref<1x2x512xf32, #tpu.memory_space<vmem>>, vector<1x2x512xf32>
    %swap3A_36 = vector.shape_cast %swap3A_35 : vector<1x2x512xf32> to vector<2x512xf32>
    %swap3A_37 = vector.shape_cast %concatenate3A : vector<2x512xf32> to vector<1x2x512xf32>
    tpu.vector_store %arg6[%swap3A, %swap3A_33, %swap3A_34], %swap3A_37 {strides = array<i32>} : memref<1x2x512xf32, #tpu.memory_space<vmem>>, vector<1x2x512xf32>,
    return
  }
  func.func @transform_0(%arg0: i32, %arg1: i32) -> (i32, i32, i32) {
    %c0_i32 = arith.constant 0 : i32
    %c0_i32_0 = arith.constant 0 : i32
    return %arg0, %c0_i32, %arg1 : i32, i32, i32
  }
  func.func @transform_1(%arg0: i32, %arg1: i32) -> (i32, i32, i32) {
    %c0_i32 = arith.constant 0 : i32
    %c0_i32_0 = arith.constant 0 : i32
    return %arg0, %c0_i32, %arg1 : i32, i32, i32
  }
  func.func @transform_2(%arg0: i32, %arg1: i32) -> (i32, i32, i32) {
    %c0_i32 = arith.constant 0 : i32
    %c0_i32_0 = arith.constant 0 : i32
    %c0_i32_1 = arith.constant 0 : i32
    return %arg0, %c0_i32, %c0_i32_0 : i32, i32, i32
  }
  func.func @transform_3(%arg0: i32, %arg1: i32) -> (i32, i32, i32) {
    %c0_i32 = arith.constant 0 : i32
    %c0_i32_0 = arith.constant 0 : i32
    %c0_i32_1 = arith.constant 0 : i32
    return %arg0, %c0_i32, %c0_i32_0 : i32, i32, i32
  }
  func.func @transform_4(%arg0: i32, %arg1: i32) -> (i32, i32, i32) {
    %c0_i32 = arith.constant 0 : i32
    %c0_i32_0 = arith.constant 0 : i32
    return %arg0, %c0_i32, %arg1 : i32, i32, i32
  }
}

</mosaic_0001>

<sc_bundles>
// kernel: kernel.4.cloned.1.call-start
scs
__scs_entry_jumppad:
0x0: {  	(pc) =	sbr.rel $0x88, $3  }
0x1: {  	(tag) =	ssettag $0x0;
	lr =	simm.s32 $0x1  }
0x2: {  	[smem:$0x3F9D] =	sst lr;
	_ =	strace $0xD0000000  }
0x3: {  	_ = 	snop  }
0x4: {  	_ = 	snop  }
0x5: {  	_ = 	snop  }
0x6: {  	_ = 	snop  }
0x7: {  	_ = 	snop  }
__scs_overlays_trampoline_lowered:
0x8: {  	[smem:$0x3FAC] =	sst s0  }
0x9: {  	[smem:$0x3FAD] =	sst s1  }
0xa: {  	[smem:$0x3FAE] =	sst s2  }
0xb: {  	[smem:$0x3FAF] =	sst s3  }
0xc: {  	[smem:$0x3FB0] =	sst s4  }
0xd: {  	[smem:$0x3FB1] =	sst s5  }
0xe: {  	[smem:$0x3FB2] =	sst s6  }
0xf: {  	[smem:$0x3FB3] =	sst s7  }
0x10: {  	[smem:$0x3FB4] =	sst s8  }
0x11: {  	[smem:$0x3FB5] =	sst s9;
	s0 =	simm.s32 @!p0 $0x0  }
0x12: {  	s1 =	sld [smem:$0x3F9B];
	s0 =	simm.s32 @p0 $0x1  }
0x13: {  	[smem:$0x3FB6] =	sst s0;
	s0 =	simm.s32 @!p1 $0x0  }
0x14: {  	s2 =	sld [smem:$0x3F9A];
	s0 =	simm.s32 @p1 $0x1  }
0x15: {  	[smem:$0x3FB7] =	sst s0;
	s0 =	simm.s32 @!p2 $0x0  }
0x16: {  	s3 =	sld [smem:$0x3FDB];
	s0 =	simm.s32 @p2 $0x1  }
0x17: {  	s4 =	simm.s32 $0x1BF5;
	[smem:$0x3FB9] =	sst s0  }
0x18: {  	s0 =	sld [smem:$0x3F9C];
	_ =	swait.ge [sflag:s4], $0x0  }
0x19: {  	s7 =	sld [smem:$0x3F9D]  }
0x1a: {  	s8 =	sadd.s32 $0xFFFFE003, lr  }
0x1b: {  	s9 =	sadd.s32 $0xFFFFFEF7, lr;
	s5 =	simm.s32 $0xFFFFFFFF;
	p2 =	slt.u32 s8, $0xFFFFF086  }
0x1c: {  	p1 =	slt.u32 s9, $0xF7A;
	s5 =	simm.s32 @!p2 $0x0  }
0x1d: {  	s5 =	simm.s32 @p1 $0x1;
	p0 =	seq.s32 s7, s2  }
0x1e: {  	s7 =	smul.u32 @!p0 $0xF7A, s2;
	p2 =	seq.s32 @!p0 s5, $0x0  }
0x1f: {  	s9 =	smul.u32 $0xF7A, s1;
	s8 =	simm.s32 @!p0 $0x1BF5;
	p2 =	por !p2, p0  }
0x20: {  	[sflag:s8] =	ssyncset.s32 @!p0 $0xFFFFF086;
	s6 =	sadd.s32 @!p0 s3, s7;
	s7 =	simm.s32 @!p0 $0x108  }
0x21: {  	s3 =	sadd.s32 s3, s9;
	s6 =	sadd.s32 @!p0 $0x88, s6;
	s7 =	simm.s32 @p2 $0x1082  }
0x22: {  	[simem:s7], [sflag:s8] =	dma.local @!p0 [hbm:s6], $0xF7A  }
0x23: {  	s9 =	sor.u32 $0xD0000000, s2;
	s6 =	simm.s32 $0x108;
	_ =	swait.ge @!p0 [sflag:s8], $0x0  }
0x24: {  	s3 =	sadd.s32 $0x88, s3;
	s6 =	simm.s32 @!p1 $0x1082;
	[sflag:s4] =	ssyncset.s32 $0xFFFFF086  }
0x25: {  	[simem:s6], [sflag:s4] =	dma.local [hbm:s3], $0xF7A  }
0x26: {  	[smem:$0x3F9D] =	sst s1;
	(tag) =	ssettag s2;
	_ =	strace s9  }
0x27: {  	s1 =	sld [smem:$0x3FAD]  }
0x28: {  	s2 =	sld [smem:$0x3FAE]  }
0x29: {  	s4 =	sld [smem:$0x3FB0]  }
0x2a: {  	p0 =	seq.s32 s5, $0x0;
	s5 =	sld [smem:$0x3FB1]  }
0x2b: {  	s6 =	sld [smem:$0x3FB2]  }
0x2c: {  	s7 =	sld [smem:$0x3FB3]  }
0x2d: {  	s3 =	simm.s32 $0x108;
	s8 =	sld [smem:$0x3FB4]  }
0x2e: {  	s3 =	simm.s32 @!p0 $0x1082;
	s9 =	sld [smem:$0x3FB5]  }
0x2f: {  	lr =	sadd.s32 s0, s3;
	s0 =	sld [smem:$0x3FAC]  }
0x30: {  	s3 =	sld [smem:$0x3FAF]  }
0x31: {  	[smem:$0x3FB8] =	sst s10  }
0x32: {  	s10 =	sld [smem:$0x3FB6];
	_ =	sdelay $0x3  }
0x33: {  	p0 =	seq.s32 s10, $0x1;
	s10 =	sld [smem:$0x3FB8];
	_ =	sdelay $0x3  }
0x34: {  	[smem:$0x3FB8] =	sst s10  }
0x35: {  	s10 =	sld [smem:$0x3FB7];
	_ =	sdelay $0x3  }
0x36: {  	p1 =	seq.s32 s10, $0x1;
	s10 =	sld [smem:$0x3FB8];
	_ =	sdelay $0x3  }
0x37: {  	[smem:$0x3FB8] =	sst s10  }
0x38: {  	s10 =	sld [smem:$0x3FB9]  }
0x39: {  	_ = 	snop;
	(pc) =	sbr.ind lr, $3  }
0x3a: {  	_ = 	snop  }
0x3b: {  	_ = 	snop  }
0x3c: {  	p2 =	seq.s32 s10, $0x1;
	s10 =	sld [smem:$0x3FB8]  }
0x3d: {  	_ =	shalt  }
0x3e: {  	_ =	shalt  }
0x3f: {  	_ =	shalt  }
0x40: {  	_ =	shalt  }
0x41: {  	_ =	shalt  }
0x42: {  	_ =	shalt  }
0x43: {  	_ =	shalt  }
0x44: {  	_ =	shalt  }
0x45: {  	_ =	shalt  }
0x46: {  	_ =	shalt  }
0x47: {  	_ =	shalt  }
0x48: {  	_ =	shalt  }
0x49: {  	_ =	shalt  }
0x4a: {  	_ =	shalt  }
0x4b: {  	_ =	shalt  }
0x4c: {  	_ =	shalt  }
0x4d: {  	_ =	shalt  }
0x4e: {  	_ =	shalt  }
0x4f: {  	_ =	shalt  }
0x50: {  	_ =	shalt  }
0x51: {  	_ =	shalt  }
0x52: {  	_ =	shalt  }
0x53: {  	_ =	shalt  }
0x54: {  	_ =	shalt  }
0x55: {  	_ =	shalt  }
0x56: {  	_ =	shalt  }
0x57: {  	_ =	shalt  }
0x58: {  	_ =	shalt  }
0x59: {  	_ =	shalt  }
0x5a: {  	_ =	shalt  }
0x5b: {  	_ =	shalt  }
0x5c: {  	_ =	shalt  }
0x5d: {  	_ =	shalt  }
0x5e: {  	_ =	shalt  }
0x5f: {  	_ =	shalt  }
0x60: {  	_ =	shalt  }
0x61: {  	_ =	shalt  }
0x62: {  	_ =	shalt  }
0x63: {  	_ =	shalt  }
0x64: {  	_ =	shalt  }
0x65: {  	_ =	shalt  }
0x66: {  	_ =	shalt  }
0x67: {  	_ =	shalt  }
0x68: {  	_ =	shalt  }
0x69: {  	_ =	shalt  }
0x6a: {  	_ =	shalt  }
0x6b: {  	_ =	shalt  }
0x6c: {  	_ =	shalt  }
0x6d: {  	_ =	shalt  }
0x6e: {  	_ =	shalt  }
0x6f: {  	_ =	shalt  }
0x70: {  	_ =	shalt  }
0x71: {  	_ =	shalt  }
0x72: {  	_ =	shalt  }
0x73: {  	_ =	shalt  }
0x74: {  	_ =	shalt  }
0x75: {  	_ =	shalt  }
0x76: {  	_ =	shalt  }
0x77: {  	_ =	shalt  }
0x78: {  	_ =	shalt  }
0x79: {  	_ =	shalt  }
0x7a: {  	_ =	shalt  }
0x7b: {  	_ =	shalt  }
0x7c: {  	_ =	shalt  }
0x7d: {  	_ =	shalt  }
0x7e: {  	_ =	shalt  }
0x7f: {  	_ =	shalt  }
0x80: {  	_ =	shalt  }
0x81: {  	_ =	shalt  }
0x82: {  	_ =	shalt  }
0x83: {  	_ =	shalt  }
0x84: {  	_ =	shalt  }
0x85: {  	_ =	shalt  }
0x86: {  	_ =	shalt  }
0x87: {  	_ =	shalt  }
.Lfunc_end0:
.L_simem_size_0:
called_computation_lowered:
.L_overlay_start_0:
0x88: {  	s2 =	sld [smem:$0x3FD9]  }
0x89: {  	s3 =	sld [smem:$0x3FFE];
	_ =	sdelay $0x1  }
0x8a: {  	s1 =	srdreg.scid  }
0x8b: {  	s0 =	sand.u32 $0x1, s1  }
0x8c: {  	s17 =	sshll.u32 s0, $0xA;
	s2 =	sadd.s32 s3, s2  }
0x8d: {  	s2 =	sadd.s32 s2, s17  }
0x8e: {  	[smem:$0x3FC4] =	sst s2  }
0x8f: {  	_ = 	snop  }
0x90: {  	s2 =	sld [smem:$0x3FD0];
	(tm) =	ssettm $0x1  }
0x91: {  	s18 =	sld [smem:$0x3FFB];
	_ =	sdelay $0x3  }
0x92: {  	_ =	strace s18  }
0x93: {  	s3 =	sld [smem:$0x3FFC];
	_ =	sdelay $0x3  }
0x94: {  	_ =	strace s3  }
0x95: {  	s3 =	sld [smem:$0x3FFD];
	_ =	sdelay $0x3  }
0x96: {  	_ =	strace s3  }
0x97: {  	_ =	strace $0x8FFFFFFF  }
0x98: {  	s19 =	sld [smem:$0x3FDB];
	_ =	sdelay $0x1  }
0x99: {  	s4 =	simm.s32 $_scs_section_size  }
0x9a: {  	s5 =	simm.s32 $_size__tile_overlayer_lowered;
	s6 =	simm.s32 $_tile_overlayer_lowered  }
0x9b: {  	s22 =	simm.s32 $0x1BFF;
	s21 =	sshll.u32 s6, $0x1;
	s3 =	sadd.s32 s4, s19  }
0x9c: {  	s7 =	simm.s32 $0x0;
	s20 =	sshll.u32 s5, $0x1;
	s5 =	sadd.s32 s21, s3  }
0x9d: {  	[timem:s7], [sflag:s22] =	dma.local [hbm:s5], s20  }
0x9e: {  	_ =	swait.ge [sflag:s22], s20  }
0x9f: {  	s4 =	ssub.s32 $0x0, s20;
	[sflag:s22] =	ssyncset.done $0x0  }
0xa0: {  	[sflag:s22] =	ssyncadd.s32 s4;
	_ =	sdelay $0x1  }
0xa1: {  	s23 =	simm.s32 $0x1B8B  }
0xa2: {  	_ =	swait.ge [sflag:s23], $0x1  }
0xa3: {  	[sflag:s23] =	ssyncset.done $0x0  }
0xa4: {  	s25 =	simm.s32 $0x1B8E;
	s24 =	sld [smem:$0x3FFE];
	[sflag:s23] =	ssyncadd.s32 $0xFFFFFFFF  }
0xa5: {  	s26 =	simm.s32 $execute0_lowered;
	[smem:$0x3FD2] =	sst s25  }
0xa6: {  	s5 =	sshll.u32 s26, $0x1;
	_ =	strace $0x80000046;
	[dreg:$0x1] =	wrdreg $0xFFFFFFFF  }
0xa7: {  	s28 =	simm.s32 $_size_execute0_lowered;
	s3 =	sadd.s32 s3, s5;
	[dreg:$0x0] =	wrdreg $0x0  }
0xa8: {  	s5 =	sshll.u32 s28, $0x1;
	[dreg:$0x2] =	wrdreg s3  }
0xa9: {  	[dreg:$0x3] =	wrdreg s5  }
0xaa: {  	[dreg:$0x4] =	wrdreg $0xC0  }
0xab: {  	_ =	task [dreg:s7], $0x5FFFF  }
0xac: {  	[dreg:$0x1] =	wrdreg $0xFFFFFFFF  }
0xad: {  	[dreg:$0x0] =	wrdreg $0x60  }
0xae: {  	[dreg:$0x2] =	wrdreg s24  }
0xaf: {  	[dreg:$0x3] =	wrdreg s2  }
0xb0: {  	[dreg:$0x4] =	wrdreg $0x9  }
0xb1: {  	_ =	task.clear_ibuf [dreg:s7], $0x5FFFF;
	_ =	strace $0x90000046  }
0xb2: {  	s29 =	simm.s32 $0x9;
	_ =	strace $0x80000048  }
0xb3: {  	_ =	swait.ge [sflag:s29], $0x1  }
0xb4: {  	[sflag:s29] =	ssyncadd.s32 $0xFFFFFFFF  }
0xb5: {  	_ =	strace $0x90000048  }
0xb6: {  	_ =	sfence  }
0xb7: {  	s30 =	sld [smem:$0x0];
	_ =	sdelay $0x2  }
0xb8: {  	s31 =	sshll.u32 s1, $0xD;
	s1 =	sshrl.u32 s1, $0x2  }
0xb9: {  	s3 =	sand.u32 $0x4000, s31;
	s1 =	sadd.s32 s1, s30  }
0xba: {  	s0 =	sor.u32 s3, s0;
	s1 =	sshll.u32 s1, $0x11  }
0xbb: {  	s0 =	sor.u32 s1, s0  }
0xbc: {  	s0 =	sadd.s32 $0x8F2B, s0  }
0xbd: {  	[sflag:s0] =	ssyncadd.remote.s32 $0x1  }
0xbe: {  	_ =	sfence.sel $0xFFFF  }
0xbf: {  	[dreg:$0x0] =	wrdreg $0xFFFFFFFF;
	(pc) =	sbr.abs _section_cstart, $3  }
0xc0: {  	[dreg:$0x1] =	wrdreg $0xFFFFFFFF  }
0xc1: {  	_ =	task.clear_ibuf [dreg:s7], $0x2FFFF;
	_ =	strace $0x9FFFFFFF  }
0xc2: {  	(tm) =	ssettm $0x7FFFFFFF  }
0xc3: {  	_ =	shalt  }
tec
execute0_lowered:
.L_overlay_start_1:
0x0: {  	(tag) =	ssettag $0x1  }
0x1: {  	s1 =	stileid.u32  }
0x2: {  	p0 =	sgt.u32 s1, $0x3  }
.Ltmp0:
0x3: {  	_ = 	snop;
	(pc) =	sbr.rel @p0 .LBB2_7-.Ltmp0, $4  }
0x4: {  	s3 =	rddreg [dreg:$0x0]  }
0x5: {  	s4 =	rddreg [dreg:$0x1];
	s2 =	simm.s32 $0x0  }
0x6: {  	[smem:$0x7FF] =	sst s2  }
0x7: {  	s0 =	rddreg [dreg:$0x2];
	_ =	strace $0x80000047  }
0x8: {  	s5 =	srdreg.scid  }
0x9: {  	s31 =	sshll.u32 s1, $0x5;
	s12 =	sadd.s32 $0x3000, s3;
	s15 =	simm.s32 $0x1  }
0xa: {  	s16 =	simm.s32 $0x2000;
	s17 =	simm.s32 $0x2200;
	s18 =	simm.s32 $0x3200  }
0xb: {  	s19 =	simm.s32 $0x4200;
	s20 =	simm.s32 $0x5200;
	s8 =	sand.u32 $0x1, s5  }
0xc: {  	s21 =	simm.s32 $0x6200;
	s22 =	simm.s32 $0x6400;
	s6 =	sshll.u32 s8, $0x4  }
0xd: {  	s23 =	simm.s32 $0x6600;
	s13 =	ssub.s32 $0x2, s8;
	s11 =	sor.u32 s6, s31  }
0xe: {  	s14 =	sshrl.u32 s13, $0x1;
	s10 =	sadd.s32 s11, s3;
	s4 =	sadd.s32 s4, s11  }
0xf: {  	s13 =	ssub.s32 s13, s14;
	s11 =	sadd.s32 s12, s11;
	s14 =	simm.s32 $0x400  }
0x10: {  	s3 =	sadd.s32 $0x4000, s10;
	s5 =	sadd.s32 $0x7000, s10;
	s6 =	sadd.s32 $0x6000, s10  }
0x11: {  	s7 =	sadd.s32 $0x5000, s10;
	s8 =	sadd.s32 $0x8400, s10;
	s9 =	sadd.s32 $0x8200, s10  }
0x12: {  	v0 =	vimm.s32 $0x0;
	v1 =	vlaneseq.u32;
	s10 =	sadd.s32 $0x8000, s10;
	s12 =	smax.u32 s13, $0x1;
	s13 =	simm.s32 $0x80  }
.LBB2_2:
0x13: {  	s25 =	simm.s32 $0x0  }
0x14: {  	[tilespmem:s25], [sflag:$0x1] =	stream.strided.gather [hbm4b:s11+s13], $0x1000, s14, s13, $0x38;
	[tilespmem:$0x6800] =	vst v63  }
0x15: {  	_ =	swait.ge [sflag:s15], $0x1000  }
0x16: {  	[sflag:s15] =	ssyncset.done $0x0  }
0x17: {  	s24 =	simm.s32 $0x1000;
	[sflag:s15] =	ssyncadd.s32 $0xFFFFF000  }
0x18: {  	[tilespmem:s24], [sflag:$0x1] =	stream.strided.gather [hbm4b:s3+s13], $0x1000, s14, s13, $0x38;
	[tilespmem:$0x6800] =	vst v63  }
0x19: {  	_ =	swait.ge [sflag:s15], $0x1000  }
0x1a: {  	[sflag:s15] =	ssyncset.done $0x0  }
0x1b: {  	[sflag:s15] =	ssyncadd.s32 $0xFFFFF000  }
0x1c: {  	[tilespmem:s16], [sflag:$0x1] =	stream.strided.gather [hbm4b:s4+s13], $0x200, s14, s13, $0x38;
	[tilespmem:$0x6800] =	vst v63  }
0x1d: {  	_ =	swait.ge [sflag:s15], $0x200  }
0x1e: {  	[sflag:s15] =	ssyncset.done $0x0  }
0x1f: {  	[sflag:s15] =	ssyncadd.s32 $0xFFFFFE00  }
0x20: {  	[tilespmem:s17], [sflag:$0x1] =	stream.strided.gather [hbm4b:s5+s13], $0x1000, s14, s13, $0x38;
	[tilespmem:$0x6800] =	vst v63  }
0x21: {  	_ =	swait.ge [sflag:s15], $0x1000  }
0x22: {  	[sflag:s15] =	ssyncset.done $0x0  }
0x23: {  	[sflag:s15] =	ssyncadd.s32 $0xFFFFF000  }
0x24: {  	[tilespmem:s18], [sflag:$0x1] =	stream.strided.gather [hbm4b:s6+s13], $0x1000, s14, s13, $0x38;
	[tilespmem:$0x6800] =	vst v63  }
0x25: {  	_ =	swait.ge [sflag:s15], $0x1000  }
0x26: {  	[sflag:s15] =	ssyncset.done $0x0  }
0x27: {  	[sflag:s15] =	ssyncadd.s32 $0xFFFFF000  }
0x28: {  	[tilespmem:s19], [sflag:$0x1] =	stream.strided.gather [hbm4b:s7+s13], $0x1000, s14, s13, $0x38;
	[tilespmem:$0x6800] =	vst v63  }
0x29: {  	_ =	swait.ge [sflag:s15], $0x1000  }
0x2a: {  	[sflag:s15] =	ssyncset.done $0x0  }
0x2b: {  	[sflag:s15] =	ssyncadd.s32 $0xFFFFF000  }
0x2c: {  	[tilespmem:$0x5200] =	vst v0  }
0x2d: {  	v2 =	vld [tilespmem:s25+$0x0];
	_ =	sdelay $0x2  }
0x2e: {  	v3 =	vld [tilespmem:s24+$0x0];
	_ =	sdelay $0x1  }
0x2f: {  	vm0 =	vle.f32 v2, $5.000000000e-01;
	_ =	sdelay $0x4  }
0x30: {  	v2 =	vor.u32 s25, v1  }
0x31: {  	s25 =	simm.s32 $0x10;
	[tilespmem:v3+s20+$0x0] =	vst.idx.msk vm0, v2  }
0x32: {  	s26 =	simm.s32 $0x20;
	s28 =	simm.s32 $0x10;
	v2 =	vld [tilespmem:s25+$0x0]  }
.LBB2_3:
0x33: {  	p0 =	sne.s32 s26, $0xF90  }
0x34: {  	s24 =	sadd.s32 $0x10, s24  }
0x35: {  	v3 =	vld [tilespmem:s24+$0x0];
	_ =	sdelay $0x1  }
0x36: {  	vm0 =	vle.f32 v2, $5.000000000e-01;
	_ =	sdelay $0x2  }
.Ltmp1:
0x37: {  	(pc) =	sbr.rel @p0 .LBB2_3-.Ltmp1, $4  }
0x38: {  	_ = 	snop  }
0x39: {  	v2 =	vor.u32 s25, v1;
	s25 =	smov.u32 s26  }
0x3a: {  	s28 =	sadd.s32 $0x10, s28;
	[tilespmem:v3+s20+$0x0] =	vst.idx.msk vm0, v2  }
0x3b: {  	s26 =	sadd.s32 $0x10, s26;
	v2 =	vld [tilespmem:s28+$0x0]  }
0x3c: {  	_ = 	snop  }
0x3d: {  	s24 =	sadd.s32 $0x10, s24  }
0x3e: {  	v3 =	vld [tilespmem:s24+$0x0];
	_ =	sdelay $0x1  }
0x3f: {  	vm0 =	vle.f32 v2, $5.000000000e-01;
	_ =	sdelay $0x4  }
0x40: {  	v2 =	vor.u32 s25, v1  }
0x41: {  	s24 =	simm.s32 $0x0;
	[tilespmem:v3+s20+$0x0] =	vst.idx.msk vm0, v2  }
0x42: {  	v2 =	vld [tilespmem:s24+$0x2000];
	_ =	sdelay $0x7  }
0x43: {  	v2 =	vld.idx.msk [tilespmem:v2+s20+$0x0], $0xffff;
	_ =	sdelay $0x7  }
0x44: {  	v3 =	vld.idx.msk [tilespmem:v2+s17+$0x0], $0xffff;
	_ =	sdelay $0x4  }
0x45: {  	[tilespmem:s24+$0x6200] =	vst v3  }
0x46: {  	v3 =	vld.idx.msk [tilespmem:v2+s18+$0x0], $0xffff;
	_ =	sdelay $0x3  }
0x47: {  	s26 =	simm.s32 $0x10;
	s25 =	simm.s32 $0x80  }
.LBB2_5:
0x48: {  	p0 =	sne.s32 s25, $0x7C0;
	v4 =	vld [tilespmem:s26+$0x2000];
	[tilespmem:s24+$0x6400] =	vst v3  }
0x49: {  	v2 =	vld.idx.msk [tilespmem:v2+s19+$0x0], $0xffff;
	_ =	sdelay $0x5  }
0x4a: {  	[tilespmem:s24+$0x6600] =	vst v2;
	s24 =	smov.u32 s26  }
0x4b: {  	v2 =	vld.idx.msk [tilespmem:v4+s20+$0x0], $0xffff;
	_ =	sdelay $0x7  }
0x4c: {  	v3 =	vld.idx.msk [tilespmem:v2+s17+$0x0], $0xffff;
	_ =	sdelay $0x5  }
0x4d: {  	[tilespmem:s24+$0x6200] =	vst v3  }
0x4e: {  	v3 =	vld.idx.msk [tilespmem:v2+s18+$0x0], $0xffff  }
.Ltmp2:
0x4f: {  	(pc) =	sbr.rel @p0 .LBB2_5-.Ltmp2, $2  }
0x50: {  	_ =	sdelay $0x2  }
0x51: {  	s26 =	sshra.s32 s25, $0x2;
	s25 =	sadd.s32 $0x40, s25  }
0x52: {  	_ =	sdelay $0x1  }
0x53: {  	v4 =	vld [tilespmem:s26+$0x2000]  }
0x54: {  	[tilespmem:s24+$0x6400] =	vst v3  }
0x55: {  	v2 =	vld.idx.msk [tilespmem:v2+s19+$0x0], $0xffff;
	_ =	sdelay $0x4  }
0x56: {  	[tilespmem:s24+$0x6600] =	vst v2  }
0x57: {  	v2 =	vld.idx.msk [tilespmem:v4+s20+$0x0], $0xffff;
	_ =	sdelay $0x7  }
0x58: {  	v3 =	vld.idx.msk [tilespmem:v2+s17+$0x0], $0xffff;
	_ =	sdelay $0x4  }
0x59: {  	[tilespmem:s26+$0x6200] =	vst v3  }
0x5a: {  	v3 =	vld.idx.msk [tilespmem:v2+s18+$0x0], $0xffff;
	_ =	sdelay $0x4  }
0x5b: {  	[tilespmem:s26+$0x6400] =	vst v3  }
0x5c: {  	v2 =	vld.idx.msk [tilespmem:v2+s19+$0x0], $0xffff;
	_ =	sdelay $0x4  }
0x5d: {  	[tilespmem:s26+$0x6600] =	vst v2  }
0x5e: {  	[hbm4b:s8+s13] =	stream.strided.scatter [tilespmem:s21], [sflag:$0x1], $0x200, s14, s13, $0x38;
	[tilespmem:$0x6800] =	vst v63  }
0x5f: {  	_ =	swait.ge [sflag:s15], $0x200  }
0x60: {  	[sflag:s15] =	ssyncset.done $0x0  }
0x61: {  	[sflag:s15] =	ssyncadd.s32 $0xFFFFFE00  }
0x62: {  	[hbm4b:s9+s13] =	stream.strided.scatter [tilespmem:s22], [sflag:$0x1], $0x200, s14, s13, $0x38;
	[tilespmem:$0x6800] =	vst v63  }
0x63: {  	s2 =	sadd.s32 $0x1, s2;
	_ =	swait.ge [sflag:s15], $0x200  }
0x64: {  	p0 =	sne.s32 s2, s12;
	[sflag:s15] =	ssyncset.done $0x0  }
.Ltmp3:
0x65: {  	[sflag:s15] =	ssyncadd.s32 $0xFFFFFE00;
	(pc) =	sbr.rel @p0 .LBB2_2-.Ltmp3, $4  }
0x66: {  	[hbm4b:s10+s13] =	stream.strided.scatter [tilespmem:s23], [sflag:$0x1], $0x200, s14, s13, $0x38;
	[tilespmem:$0x6800] =	vst v63  }
0x67: {  	_ =	swait.ge [sflag:s15], $0x200  }
0x68: {  	[sflag:s15] =	ssyncset.done $0x0  }
0x69: {  	[sflag:s15] =	ssyncadd.s32 $0xFFFFFE00  }
.LBB2_7:
0x6a: {  	_ =	sfence.sel $0x180000  }
0x6b: {  	[bflag:$0x0] =	sbarrier.arrive $0xFFFF  }
0x6c: {  	p0 =	sne.s32 s1, $0x0;
	_ =	strace $0x90000047  }
0x6d: {  	s0 =	sadd.s32 @!p0 $0x100000, s0;
	[bflag:$0x2] =	sbarrier.arrive $0xFFFF  }
0x6e: {  	[sflag:s0] =	ssyncadd.tile.s32 @!p0 $0x1;
	_ =	shalt  }
.Lfunc_end2:
_tile_overlayer_lowered:
.L_overlay_start_2:
0x6f: {  	(tag) =	ssettag $0x2  }
0x70: {  	s0 =	rddreg [dreg:$0x0];
	s2 =	stileid.u32  }
0x71: {  	s1 =	rddreg [dreg:$0x1];
	p0 =	sne.s32 s2, $0x0  }
0x72: {  	s3 =	rddreg [dreg:$0x2];
	[bflag:$0x3] =	sbarrier.arrive $0xFFFF;
	s2 =	simm.s32 @!p0 $0x1C01  }
0x73: {  	[timem:s3], [sflag:s2] =	dma.local @!p0 [hbm:s0], s1  }
0x74: {  	s0 =	simm.s32 @!p0 $0x1  }
0x75: {  	_ =	swait.ge @!p0 [sflag:s0], s1  }
0x76: {  	s1 =	ssub.s32 @!p0 $0x0, s1;
	[sflag:s0] =	ssyncset.done @!p0 $0x0  }
0x77: {  	[sflag:s0] =	ssyncadd.s32 @!p0 s1  }
0x78: {  	[bflag:$0x3] =	sbarrier.arrive $0xFFFF  }
0x79: {  	_ =	shalt  }

</sc_bundles>
